<compile_context>
chip_gen: v7x
topology: tpu7x:2x2x1
jax: 0.10.2.dev20260603
libtpu: 0.0.44.dev20260713+nightly
codegen_flags: <defaults>
</compile_context>

<pallas_src>
import jax
import jax.numpy as jnp
from jax import lax
from jax.experimental import pallas as pl
from jax.experimental.pallas import tpu as pltpu
from jax.experimental.pallas import tpu_sc as plsc

N = 8192
NC, NS, L = 2, 16, 16
NW = NC * NS

QSC = 2304
QTC = N - QSC
RT = N // NC
QT = QSC // NS
QV = QT // L

RB = 736


def _bf16_round(x):
    b = plsc.bitcast(x, jnp.int32)
    odd = lax.shift_right_logical(b, 16) & 1
    b = b + 0x7FFF + odd
    b = b & jnp.int32(-65536)
    return plsc.bitcast(b, jnp.float32)


def _sc_body(x1, y1, x2, y2, out, u_v, v_v, u2_v, v2_v, w_v,
             xq_v, yq_v, o_v):
    rs = lax.axis_index("c")
    qs = lax.axis_index("s")

    pltpu.sync_copy(x2.at[pl.ds(rs * RT, RT)], u_v)
    pltpu.sync_copy(y2.at[pl.ds(rs * RT, RT)], v_v)
    pltpu.sync_copy(x1.at[pl.ds(qs * QT, QT)], xq_v)
    pltpu.sync_copy(y1.at[pl.ds(qs * QT, QT)], yq_v)

    def pre(kk, carry):
        u = u_v[pl.ds(kk * L, L)]
        v = v_v[pl.ds(kk * L, L)]
        u2_v[pl.ds(kk * L, L)] = _bf16_round(u) * (-2.0)
        v2_v[pl.ds(kk * L, L)] = _bf16_round(v) * (-2.0)
        w_v[pl.ds(kk * L, L)] = u * u + v * v
        return carry

    lax.fori_loop(0, RT // L, pre, 0)

    xb = [_bf16_round(xq_v[pl.ds(q * L, L)]) for q in range(QV)]
    yb = [_bf16_round(yq_v[pl.ds(q * L, L)]) for q in range(QV)]

    def step(j, accs):
        idx = jnp.full((L,), j, jnp.int32)
        u2 = plsc.load_gather(u2_v, [idx])
        v2 = plsc.load_gather(v2_v, [idx])
        w = plsc.load_gather(w_v, [idx])
        new = []
        for q in range(QV):
            t = xb[q] * u2 + w
            t = yb[q] * v2 + t
            new.append(jnp.minimum(accs[q], t))
        return tuple(new)

    init = tuple(jnp.full((L,), jnp.inf, jnp.float32) for _ in range(QV))
    accs = lax.fori_loop(0, RT, step, init)

    for q in range(QV):
        x = xq_v[pl.ds(q * L, L)]
        y = yq_v[pl.ds(q * L, L)]
        o_v[pl.ds(q * L, L)] = accs[q] + (x * x + y * y)
    pltpu.sync_copy(o_v, out.at[qs * NC + rs])


def _sc_call(x1, y1, x2, y2):
    mesh = plsc.VectorSubcoreMesh(
        core_axis_name="c", subcore_axis_name="s",
        num_cores=NC, num_subcores=NS)
    return pl.kernel(
        _sc_body,
        out_type=jax.ShapeDtypeStruct((NW, QT), jnp.float32),
        mesh=mesh,
        compiler_params=pltpu.CompilerParams(needs_layout_passes=False),
        scratch_types=[
            pltpu.VMEM((RT,), jnp.float32),
            pltpu.VMEM((RT,), jnp.float32),
            pltpu.VMEM((RT,), jnp.float32),
            pltpu.VMEM((RT,), jnp.float32),
            pltpu.VMEM((RT,), jnp.float32),
            pltpu.VMEM((QT,), jnp.float32),
            pltpu.VMEM((QT,), jnp.float32),
            pltpu.VMEM((QT,), jnp.float32),
        ],
    )(x1, y1, x2, y2)


def _tc_body(l1_ref, l2_ref, out_ref):
    l1b = l1_ref[...]
    sq1 = jnp.sum(l1b * l1b, axis=1, keepdims=True)
    l2 = l2_ref[...]
    sq2 = jnp.sum(l2 * l2, axis=1, keepdims=True).T
    a2 = lax.dot_general((2.0 * l1b).astype(jnp.bfloat16),
                         l2.astype(jnp.bfloat16),
                         (((1,), (1,)), ((), ())),
                         preferred_element_type=jnp.float32)
    dist = sq2 - a2
    out_ref[...] = jnp.min(dist, axis=1, keepdims=True) + sq1


def _tc_call(loc1_part, loc2):
    m = loc1_part.shape[0]
    return pl.pallas_call(
        _tc_body,
        grid=(m // RB,),
        in_specs=[
            pl.BlockSpec((RB, 2), lambda i: (i, 0)),
            pl.BlockSpec((N, 2), lambda i: (0, 0)),
        ],
        out_specs=pl.BlockSpec((RB, 1), lambda i: (i, 0)),
        out_shape=jax.ShapeDtypeStruct((m, 1), jnp.float32),
    )(loc1_part, loc2)


@jax.jit
def kernel(loc1, loc2):
    partial = _sc_call(loc1[QTC:, 0], loc1[QTC:, 1], loc2[:, 0], loc2[:, 1])

    mins = _tc_call(loc1[:QTC], loc2)

    sc_min = jnp.min(partial.reshape(NS, NC, QT), axis=1)
    return ((jnp.sum(sc_min) + jnp.sum(mins.reshape(QTC // 128, 128)))
            / jnp.float32(N))

# --- scband reference (transcript-rebuilt; emitter-appended) ---
"""Pipeline reference for scband-set-loss-54537494724893 (READ-ONLY COPY).

The authoritative reference and input builder live on the scoring server;
editing this copy changes nothing except your own understanding.
"""

import jax, jax.numpy as jnp
import numpy as np


def setup_inputs(seed: int = 0) -> dict:
    key = jax.random.key(seed)
    k1, k2 = jax.random.split(key)
    N = 8192
    loc1 = jax.random.normal(k1, (N, 2), dtype=jnp.float32)
    loc2 = jax.random.normal(k2, (N, 2), dtype=jnp.float32)
    return {"loc1": loc1, "loc2": loc2}


def reference(loc1, loc2):
    # dist_mat = |loc1|^2 + |loc2|^2^T - 2 * loc1 @ loc2^T  (torch addmm_(1, -2, loc1, loc2.t()))
    N = loc1.shape[0]
    sq1 = jnp.sum(loc1 ** 2, axis=1, keepdims=True)            # (N, 1)
    sq2 = jnp.sum(loc2 ** 2, axis=1, keepdims=True).T          # (1, N)
    dist_mat = sq1 + sq2 - 2.0 * (loc1 @ loc2.T)               # (N, N)
    dist = jnp.min(dist_mat, axis=1, keepdims=True)            # (N, 1) nearest-neighbor sq dist
    loss = jnp.mean(dist)
    return loss

if __name__ == "__main__":
    import jax
    _d = setup_inputs()
    print(jax.jit(kernel)(*tuple(_d.values())))

</pallas_src>

<mosaic_0001>
#map = affine_map<(d0, d1) -> (0)>
#map1 = affine_map<(d0, d1) -> (0, 0)>
module attributes {stable_mosaic.version = 14 : i64} {
  func.func @_sc_body(%arg0: i32, %arg1: i32, %arg2: memref<2304xf32, #tpu.memory_space<hbm>>, %arg3: memref<2304xf32, #tpu.memory_space<hbm>>, %arg4: memref<8192xf32, #tpu.memory_space<hbm>>, %arg5: memref<8192xf32, #tpu.memory_space<hbm>>, %arg6: memref<32x144xf32, #tpu.memory_space<hbm>>, %arg7: memref<4096xf32, #tpu.memory_space<vmem>>, %arg8: memref<4096xf32, #tpu.memory_space<vmem>>, %arg9: memref<4096xf32, #tpu.memory_space<vmem>>, %arg10: memref<4096xf32, #tpu.memory_space<vmem>>, %arg11: memref<4096xf32, #tpu.memory_space<vmem>>, %arg12: memref<144xf32, #tpu.memory_space<vmem>>, %arg13: memref<144xf32, #tpu.memory_space<vmem>>, %arg14: memref<144xf32, #tpu.memory_space<vmem>>) attributes {dimension_semantics = [#tpu.dimension_semantics<core_parallel>, #tpu.dimension_semantics<subcore_parallel>], iteration_bounds = array<i64: 2, 16>, scalar_prefetch = 0 : i64, scratch_operands = 8 : i64, tpu.core_type = #tpu.core_type<sc_vector_subcore>, window_params = [{transform_indices = #map}, {transform_indices = #map}, {transform_indices = #map}, {transform_indices = #map}, {transform_indices = #map1}]} {
    %mul3A = arith.constant 4096 : i32
    %mul3A_0 = arith.muli %arg0, %mul3A : i32
    "tpu.region"() ({
      %run_scoped3A = tpu.sem_alloc : memref<!tpu.dma_semaphore, #tpu.memory_space<semaphore_mem>>
      %dma_start3A = tpu.memref_slice %arg4[%mul3A_0] : memref<8192xf32, #tpu.memory_space<hbm>> -> memref<4096xf32, #tpu.memory_space<hbm>>
      %dma_start3A_428 = tpu.memref_slice %arg4[%mul3A_0] : memref<8192xf32, #tpu.memory_space<hbm>> -> memref<4096xf32, #tpu.memory_space<hbm>>
      tpu.enqueue_dma source(%dma_start3A_428 : memref<4096xf32, #tpu.memory_space<hbm>>) target(%arg7 : memref<4096xf32, #tpu.memory_space<vmem>>) target_semaphore(%run_scoped3A : memref<!tpu.dma_semaphore, #tpu.memory_space<semaphore_mem>>)
      %dma_wait3A = tpu.memref_slice %arg4[%mul3A_0] : memref<8192xf32, #tpu.memory_space<hbm>> -> memref<4096xf32, #tpu.memory_space<hbm>>
      %dma_wait3A_429 = tpu.memref_slice %arg4[%mul3A_0] : memref<8192xf32, #tpu.memory_space<hbm>> -> memref<4096xf32, #tpu.memory_space<hbm>>
      tpu.wait_dma2 semaphore(%run_scoped3A : memref<!tpu.dma_semaphore, #tpu.memory_space<semaphore_mem>>) src(%dma_wait3A_429 : memref<4096xf32, #tpu.memory_space<hbm>>) dst(%arg7 : memref<4096xf32, #tpu.memory_space<vmem>>)
      tpu.yield
    }) : () -> ()
    %mul3A_1 = arith.constant 4096 : i32
    %mul3A_2 = arith.muli %arg0, %mul3A_1 : i32
    "tpu.region"() ({
      %run_scoped3A = tpu.sem_alloc : memref<!tpu.dma_semaphore, #tpu.memory_space<semaphore_mem>>
      %dma_start3A = tpu.memref_slice %arg5[%mul3A_2] : memref<8192xf32, #tpu.memory_space<hbm>> -> memref<4096xf32, #tpu.memory_space<hbm>>
      %dma_start3A_428 = tpu.memref_slice %arg5[%mul3A_2] : memref<8192xf32, #tpu.memory_space<hbm>> -> memref<4096xf32, #tpu.memory_space<hbm>>
      tpu.enqueue_dma source(%dma_start3A_428 : memref<4096xf32, #tpu.memory_space<hbm>>) target(%arg8 : memref<4096xf32, #tpu.memory_space<vmem>>) target_semaphore(%run_scoped3A : memref<!tpu.dma_semaphore, #tpu.memory_space<semaphore_mem>>)
      %dma_wait3A = tpu.memref_slice %arg5[%mul3A_2] : memref<8192xf32, #tpu.memory_space<hbm>> -> memref<4096xf32, #tpu.memory_space<hbm>>
      %dma_wait3A_429 = tpu.memref_slice %arg5[%mul3A_2] : memref<8192xf32, #tpu.memory_space<hbm>> -> memref<4096xf32, #tpu.memory_space<hbm>>
      tpu.wait_dma2 semaphore(%run_scoped3A : memref<!tpu.dma_semaphore, #tpu.memory_space<semaphore_mem>>) src(%dma_wait3A_429 : memref<4096xf32, #tpu.memory_space<hbm>>) dst(%arg8 : memref<4096xf32, #tpu.memory_space<vmem>>)
      tpu.yield
    }) : () -> ()
    %mul3A_3 = arith.constant 144 : i32
    %mul3A_4 = arith.muli %arg1, %mul3A_3 : i32
    "tpu.region"() ({
      %run_scoped3A = tpu.sem_alloc : memref<!tpu.dma_semaphore, #tpu.memory_space<semaphore_mem>>
      %dma_start3A = tpu.memref_slice %arg2[%mul3A_4] : memref<2304xf32, #tpu.memory_space<hbm>> -> memref<144xf32, #tpu.memory_space<hbm>>
      %dma_start3A_428 = tpu.memref_slice %arg2[%mul3A_4] : memref<2304xf32, #tpu.memory_space<hbm>> -> memref<144xf32, #tpu.memory_space<hbm>>
      tpu.enqueue_dma source(%dma_start3A_428 : memref<144xf32, #tpu.memory_space<hbm>>) target(%arg12 : memref<144xf32, #tpu.memory_space<vmem>>) target_semaphore(%run_scoped3A : memref<!tpu.dma_semaphore, #tpu.memory_space<semaphore_mem>>)
      %dma_wait3A = tpu.memref_slice %arg2[%mul3A_4] : memref<2304xf32, #tpu.memory_space<hbm>> -> memref<144xf32, #tpu.memory_space<hbm>>
      %dma_wait3A_429 = tpu.memref_slice %arg2[%mul3A_4] : memref<2304xf32, #tpu.memory_space<hbm>> -> memref<144xf32, #tpu.memory_space<hbm>>
      tpu.wait_dma2 semaphore(%run_scoped3A : memref<!tpu.dma_semaphore, #tpu.memory_space<semaphore_mem>>) src(%dma_wait3A_429 : memref<144xf32, #tpu.memory_space<hbm>>) dst(%arg12 : memref<144xf32, #tpu.memory_space<vmem>>)
      tpu.yield
    }) : () -> ()
    %mul3A_5 = arith.constant 144 : i32
    %mul3A_6 = arith.muli %arg1, %mul3A_5 : i32
    "tpu.region"() ({
      %run_scoped3A = tpu.sem_alloc : memref<!tpu.dma_semaphore, #tpu.memory_space<semaphore_mem>>
      %dma_start3A = tpu.memref_slice %arg3[%mul3A_6] : memref<2304xf32, #tpu.memory_space<hbm>> -> memref<144xf32, #tpu.memory_space<hbm>>
      %dma_start3A_428 = tpu.memref_slice %arg3[%mul3A_6] : memref<2304xf32, #tpu.memory_space<hbm>> -> memref<144xf32, #tpu.memory_space<hbm>>
      tpu.enqueue_dma source(%dma_start3A_428 : memref<144xf32, #tpu.memory_space<hbm>>) target(%arg13 : memref<144xf32, #tpu.memory_space<vmem>>) target_semaphore(%run_scoped3A : memref<!tpu.dma_semaphore, #tpu.memory_space<semaphore_mem>>)
      %dma_wait3A = tpu.memref_slice %arg3[%mul3A_6] : memref<2304xf32, #tpu.memory_space<hbm>> -> memref<144xf32, #tpu.memory_space<hbm>>
      %dma_wait3A_429 = tpu.memref_slice %arg3[%mul3A_6] : memref<2304xf32, #tpu.memory_space<hbm>> -> memref<144xf32, #tpu.memory_space<hbm>>
      tpu.wait_dma2 semaphore(%run_scoped3A : memref<!tpu.dma_semaphore, #tpu.memory_space<semaphore_mem>>) src(%dma_wait3A_429 : memref<144xf32, #tpu.memory_space<hbm>>) dst(%arg13 : memref<144xf32, #tpu.memory_space<vmem>>)
      tpu.yield
    }) : () -> ()
    %scan3A = arith.constant 0 : i32
    %scan3A_7 = arith.constant 0 : i32
    %scan3A_8 = arith.constant 256 : i32
    %scan3A_9 = arith.addi %scan3A_7, %scan3A_8 : i32
    %scan3A_10 = arith.constant 1 : i32
    scf.for %scan3A_428 = %scan3A_7 to %scan3A_9 step %scan3A_10  : i32 {
      %mul3A_429 = arith.constant 16 : i32
      %mul3A_430 = arith.muli %scan3A_428, %mul3A_429 : i32
      %get3A_431 = arith.index_cast %mul3A_430 : i32 to index
      %get3A_432 = tpu.vector_load %arg7[%get3A_431] {strides = array<i32>} : memref<4096xf32, #tpu.memory_space<vmem>>, vector<16xf32>,
      %mul3A_433 = arith.constant 16 : i32
      %mul3A_434 = arith.muli %scan3A_428, %mul3A_433 : i32
      %get3A_435 = arith.index_cast %mul3A_434 : i32 to index
      %get3A_436 = tpu.vector_load %arg8[%get3A_435] {strides = array<i32>} : memref<4096xf32, #tpu.memory_space<vmem>>, vector<16xf32>,
      %bitcast3A_437 = vector.bitcast %get3A_432 : vector<16xf32> to vector<16xi32>
      %shift_right_logical3A_438 = arith.constant 16 : i32
      %shift_right_logical3A_439 = vector.broadcast %shift_right_logical3A_438 : i32 to vector<16xi32>
      %shift_right_logical3A_440 = arith.shrui %bitcast3A_437, %shift_right_logical3A_439 : vector<16xi32>
      %and3A_441 = arith.constant 1 : i32
      %and3A_442 = vector.broadcast %and3A_441 : i32 to vector<16xi32>
      %and3A_443 = arith.andi %shift_right_logical3A_440, %and3A_442 : vector<16xi32>
      %add3A_444 = arith.constant 32767 : i32
      %add3A_445 = vector.broadcast %add3A_444 : i32 to vector<16xi32>
      %add3A_446 = arith.addi %bitcast3A_437, %add3A_445 : vector<16xi32>
      %add3A_447 = arith.addi %add3A_446, %and3A_443 : vector<16xi32>
      %and3A_448 = arith.constant -65536 : i32
      %and3A_449 = vector.broadcast %and3A_448 : i32 to vector<16xi32>
      %and3A_450 = arith.andi %add3A_447, %and3A_449 : vector<16xi32>
      %bitcast3A_451 = vector.bitcast %and3A_450 : vector<16xi32> to vector<16xf32>
      %mul3A_452 = arith.constant -2.000000e+00 : f32
      %mul3A_453 = vector.broadcast %mul3A_452 : f32 to vector<16xf32>
      %mul3A_454 = arith.mulf %bitcast3A_451, %mul3A_453 : vector<16xf32>
      %mul3A_455 = arith.constant 16 : i32
      %mul3A_456 = arith.muli %scan3A_428, %mul3A_455 : i32
      %swap3A_457 = arith.index_cast %mul3A_456 : i32 to index
      %swap3A_458 = tpu.vector_load %arg9[%swap3A_457] {strides = array<i32>} : memref<4096xf32, #tpu.memory_space<vmem>>, vector<16xf32>,
      tpu.vector_store %arg9[%swap3A_457], %mul3A_454 {strides = array<i32>} : memref<4096xf32, #tpu.memory_space<vmem>>, vector<16xf32>,
      %bitcast3A_459 = vector.bitcast %get3A_436 : vector<16xf32> to vector<16xi32>
      %shift_right_logical3A_460 = arith.constant 16 : i32
      %shift_right_logical3A_461 = vector.broadcast %shift_right_logical3A_460 : i32 to vector<16xi32>
      %shift_right_logical3A_462 = arith.shrui %bitcast3A_459, %shift_right_logical3A_461 : vector<16xi32>
      %and3A_463 = arith.constant 1 : i32
      %and3A_464 = vector.broadcast %and3A_463 : i32 to vector<16xi32>
      %and3A_465 = arith.andi %shift_right_logical3A_462, %and3A_464 : vector<16xi32>
      %add3A_466 = arith.constant 32767 : i32
      %add3A_467 = vector.broadcast %add3A_466 : i32 to vector<16xi32>
      %add3A_468 = arith.addi %bitcast3A_459, %add3A_467 : vector<16xi32>
      %add3A_469 = arith.addi %add3A_468, %and3A_465 : vector<16xi32>
      %and3A_470 = arith.constant -65536 : i32
      %and3A_471 = vector.broadcast %and3A_470 : i32 to vector<16xi32>
      %and3A_472 = arith.andi %add3A_469, %and3A_471 : vector<16xi32>
      %bitcast3A_473 = vector.bitcast %and3A_472 : vector<16xi32> to vector<16xf32>
      %mul3A_474 = arith.constant -2.000000e+00 : f32
      %mul3A_475 = vector.broadcast %mul3A_474 : f32 to vector<16xf32>
      %mul3A_476 = arith.mulf %bitcast3A_473, %mul3A_475 : vector<16xf32>
      %mul3A_477 = arith.constant 16 : i32
      %mul3A_478 = arith.muli %scan3A_428, %mul3A_477 : i32
      %swap3A_479 = arith.index_cast %mul3A_478 : i32 to index
      %swap3A_480 = tpu.vector_load %arg10[%swap3A_479] {strides = array<i32>} : memref<4096xf32, #tpu.memory_space<vmem>>, vector<16xf32>,
      tpu.vector_store %arg10[%swap3A_479], %mul3A_476 {strides = array<i32>} : memref<4096xf32, #tpu.memory_space<vmem>>, vector<16xf32>,
      %mul3A_481 = arith.mulf %get3A_432, %get3A_432 : vector<16xf32>
      %mul3A_482 = arith.mulf %get3A_436, %get3A_436 : vector<16xf32>
      %add3A_483 = arith.addf %mul3A_481, %mul3A_482 : vector<16xf32>
      %mul3A_484 = arith.constant 16 : i32
      %mul3A_485 = arith.muli %scan3A_428, %mul3A_484 : i32
      %swap3A_486 = arith.index_cast %mul3A_485 : i32 to index
      %swap3A_487 = tpu.vector_load %arg11[%swap3A_486] {strides = array<i32>} : memref<4096xf32, #tpu.memory_space<vmem>>, vector<16xf32>,
      tpu.vector_store %arg11[%swap3A_486], %add3A_483 {strides = array<i32>} : memref<4096xf32, #tpu.memory_space<vmem>>, vector<16xf32>,
    }
    %scan3A_11 = arith.constant 256 : i32
    %get3A = arith.constant 0 : index
    %get3A_12 = tpu.vector_load %arg12[%get3A] {strides = array<i32>} : memref<144xf32, #tpu.memory_space<vmem>>, vector<16xf32>,
    %bitcast3A = vector.bitcast %get3A_12 : vector<16xf32> to vector<16xi32>
    %shift_right_logical3A = arith.constant 16 : i32
    %shift_right_logical3A_13 = vector.broadcast %shift_right_logical3A : i32 to vector<16xi32>
    %shift_right_logical3A_14 = arith.shrui %bitcast3A, %shift_right_logical3A_13 : vector<16xi32>
    %and3A = arith.constant 1 : i32
    %and3A_15 = vector.broadcast %and3A : i32 to vector<16xi32>
    %and3A_16 = arith.andi %shift_right_logical3A_14, %and3A_15 : vector<16xi32>
    %add3A = arith.constant 32767 : i32
    %add3A_17 = vector.broadcast %add3A : i32 to vector<16xi32>
    %add3A_18 = arith.addi %bitcast3A, %add3A_17 : vector<16xi32>
    %add3A_19 = arith.addi %add3A_18, %and3A_16 : vector<16xi32>
    %and3A_20 = arith.constant -65536 : i32
    %and3A_21 = vector.broadcast %and3A_20 : i32 to vector<16xi32>
    %and3A_22 = arith.andi %add3A_19, %and3A_21 : vector<16xi32>
    %bitcast3A_23 = vector.bitcast %and3A_22 : vector<16xi32> to vector<16xf32>
    %get3A_24 = arith.constant 16 : index
    %get3A_25 = tpu.vector_load %arg12[%get3A_24] {strides = array<i32>} : memref<144xf32, #tpu.memory_space<vmem>>, vector<16xf32>,
    %bitcast3A_26 = vector.bitcast %get3A_25 : vector<16xf32> to vector<16xi32>
    %shift_right_logical3A_27 = arith.constant 16 : i32
    %shift_right_logical3A_28 = vector.broadcast %shift_right_logical3A_27 : i32 to vector<16xi32>
    %shift_right_logical3A_29 = arith.shrui %bitcast3A_26, %shift_right_logical3A_28 : vector<16xi32>
    %and3A_30 = arith.constant 1 : i32
    %and3A_31 = vector.broadcast %and3A_30 : i32 to vector<16xi32>
    %and3A_32 = arith.andi %shift_right_logical3A_29, %and3A_31 : vector<16xi32>
    %add3A_33 = arith.constant 32767 : i32
    %add3A_34 = vector.broadcast %add3A_33 : i32 to vector<16xi32>
    %add3A_35 = arith.addi %bitcast3A_26, %add3A_34 : vector<16xi32>
    %add3A_36 = arith.addi %add3A_35, %and3A_32 : vector<16xi32>
    %and3A_37 = arith.constant -65536 : i32
    %and3A_38 = vector.broadcast %and3A_37 : i32 to vector<16xi32>
    %and3A_39 = arith.andi %add3A_36, %and3A_38 : vector<16xi32>
    %bitcast3A_40 = vector.bitcast %and3A_39 : vector<16xi32> to vector<16xf32>
    %get3A_41 = arith.constant 32 : index
    %get3A_42 = tpu.vector_load %arg12[%get3A_41] {strides = array<i32>} : memref<144xf32, #tpu.memory_space<vmem>>, vector<16xf32>,
    %bitcast3A_43 = vector.bitcast %get3A_42 : vector<16xf32> to vector<16xi32>
    %shift_right_logical3A_44 = arith.constant 16 : i32
    %shift_right_logical3A_45 = vector.broadcast %shift_right_logical3A_44 : i32 to vector<16xi32>
    %shift_right_logical3A_46 = arith.shrui %bitcast3A_43, %shift_right_logical3A_45 : vector<16xi32>
    %and3A_47 = arith.constant 1 : i32
    %and3A_48 = vector.broadcast %and3A_47 : i32 to vector<16xi32>
    %and3A_49 = arith.andi %shift_right_logical3A_46, %and3A_48 : vector<16xi32>
    %add3A_50 = arith.constant 32767 : i32
    %add3A_51 = vector.broadcast %add3A_50 : i32 to vector<16xi32>
    %add3A_52 = arith.addi %bitcast3A_43, %add3A_51 : vector<16xi32>
    %add3A_53 = arith.addi %add3A_52, %and3A_49 : vector<16xi32>
    %and3A_54 = arith.constant -65536 : i32
    %and3A_55 = vector.broadcast %and3A_54 : i32 to vector<16xi32>
    %and3A_56 = arith.andi %add3A_53, %and3A_55 : vector<16xi32>
    %bitcast3A_57 = vector.bitcast %and3A_56 : vector<16xi32> to vector<16xf32>
    %get3A_58 = arith.constant 48 : index
    %get3A_59 = tpu.vector_load %arg12[%get3A_58] {strides = array<i32>} : memref<144xf32, #tpu.memory_space<vmem>>, vector<16xf32>,
    %bitcast3A_60 = vector.bitcast %get3A_59 : vector<16xf32> to vector<16xi32>
    %shift_right_logical3A_61 = arith.constant 16 : i32
    %shift_right_logical3A_62 = vector.broadcast %shift_right_logical3A_61 : i32 to vector<16xi32>
    %shift_right_logical3A_63 = arith.shrui %bitcast3A_60, %shift_right_logical3A_62 : vector<16xi32>
    %and3A_64 = arith.constant 1 : i32
    %and3A_65 = vector.broadcast %and3A_64 : i32 to vector<16xi32>
    %and3A_66 = arith.andi %shift_right_logical3A_63, %and3A_65 : vector<16xi32>
    %add3A_67 = arith.constant 32767 : i32
    %add3A_68 = vector.broadcast %add3A_67 : i32 to vector<16xi32>
    %add3A_69 = arith.addi %bitcast3A_60, %add3A_68 : vector<16xi32>
    %add3A_70 = arith.addi %add3A_69, %and3A_66 : vector<16xi32>
    %and3A_71 = arith.constant -65536 : i32
    %and3A_72 = vector.broadcast %and3A_71 : i32 to vector<16xi32>
    %and3A_73 = arith.andi %add3A_70, %and3A_72 : vector<16xi32>
    %bitcast3A_74 = vector.bitcast %and3A_73 : vector<16xi32> to vector<16xf32>
    %get3A_75 = arith.constant 64 : index
    %get3A_76 = tpu.vector_load %arg12[%get3A_75] {strides = array<i32>} : memref<144xf32, #tpu.memory_space<vmem>>, vector<16xf32>,
    %bitcast3A_77 = vector.bitcast %get3A_76 : vector<16xf32> to vector<16xi32>
    %shift_right_logical3A_78 = arith.constant 16 : i32
    %shift_right_logical3A_79 = vector.broadcast %shift_right_logical3A_78 : i32 to vector<16xi32>
    %shift_right_logical3A_80 = arith.shrui %bitcast3A_77, %shift_right_logical3A_79 : vector<16xi32>
    %and3A_81 = arith.constant 1 : i32
    %and3A_82 = vector.broadcast %and3A_81 : i32 to vector<16xi32>
    %and3A_83 = arith.andi %shift_right_logical3A_80, %and3A_82 : vector<16xi32>
    %add3A_84 = arith.constant 32767 : i32
    %add3A_85 = vector.broadcast %add3A_84 : i32 to vector<16xi32>
    %add3A_86 = arith.addi %bitcast3A_77, %add3A_85 : vector<16xi32>
    %add3A_87 = arith.addi %add3A_86, %and3A_83 : vector<16xi32>
    %and3A_88 = arith.constant -65536 : i32
    %and3A_89 = vector.broadcast %and3A_88 : i32 to vector<16xi32>
    %and3A_90 = arith.andi %add3A_87, %and3A_89 : vector<16xi32>
    %bitcast3A_91 = vector.bitcast %and3A_90 : vector<16xi32> to vector<16xf32>
    %get3A_92 = arith.constant 80 : index
    %get3A_93 = tpu.vector_load %arg12[%get3A_92] {strides = array<i32>} : memref<144xf32, #tpu.memory_space<vmem>>, vector<16xf32>,
    %bitcast3A_94 = vector.bitcast %get3A_93 : vector<16xf32> to vector<16xi32>
    %shift_right_logical3A_95 = arith.constant 16 : i32
    %shift_right_logical3A_96 = vector.broadcast %shift_right_logical3A_95 : i32 to vector<16xi32>
    %shift_right_logical3A_97 = arith.shrui %bitcast3A_94, %shift_right_logical3A_96 : vector<16xi32>
    %and3A_98 = arith.constant 1 : i32
    %and3A_99 = vector.broadcast %and3A_98 : i32 to vector<16xi32>
    %and3A_100 = arith.andi %shift_right_logical3A_97, %and3A_99 : vector<16xi32>
    %add3A_101 = arith.constant 32767 : i32
    %add3A_102 = vector.broadcast %add3A_101 : i32 to vector<16xi32>
    %add3A_103 = arith.addi %bitcast3A_94, %add3A_102 : vector<16xi32>
    %add3A_104 = arith.addi %add3A_103, %and3A_100 : vector<16xi32>
    %and3A_105 = arith.constant -65536 : i32
    %and3A_106 = vector.broadcast %and3A_105 : i32 to vector<16xi32>
    %and3A_107 = arith.andi %add3A_104, %and3A_106 : vector<16xi32>
    %bitcast3A_108 = vector.bitcast %and3A_107 : vector<16xi32> to vector<16xf32>
    %get3A_109 = arith.constant 96 : index
    %get3A_110 = tpu.vector_load %arg12[%get3A_109] {strides = array<i32>} : memref<144xf32, #tpu.memory_space<vmem>>, vector<16xf32>,
    %bitcast3A_111 = vector.bitcast %get3A_110 : vector<16xf32> to vector<16xi32>
    %shift_right_logical3A_112 = arith.constant 16 : i32
    %shift_right_logical3A_113 = vector.broadcast %shift_right_logical3A_112 : i32 to vector<16xi32>
    %shift_right_logical3A_114 = arith.shrui %bitcast3A_111, %shift_right_logical3A_113 : vector<16xi32>
    %and3A_115 = arith.constant 1 : i32
    %and3A_116 = vector.broadcast %and3A_115 : i32 to vector<16xi32>
    %and3A_117 = arith.andi %shift_right_logical3A_114, %and3A_116 : vector<16xi32>
    %add3A_118 = arith.constant 32767 : i32
    %add3A_119 = vector.broadcast %add3A_118 : i32 to vector<16xi32>
    %add3A_120 = arith.addi %bitcast3A_111, %add3A_119 : vector<16xi32>
    %add3A_121 = arith.addi %add3A_120, %and3A_117 : vector<16xi32>
    %and3A_122 = arith.constant -65536 : i32
    %and3A_123 = vector.broadcast %and3A_122 : i32 to vector<16xi32>
    %and3A_124 = arith.andi %add3A_121, %and3A_123 : vector<16xi32>
    %bitcast3A_125 = vector.bitcast %and3A_124 : vector<16xi32> to vector<16xf32>
    %get3A_126 = arith.constant 112 : index
    %get3A_127 = tpu.vector_load %arg12[%get3A_126] {strides = array<i32>} : memref<144xf32, #tpu.memory_space<vmem>>, vector<16xf32>,
    %bitcast3A_128 = vector.bitcast %get3A_127 : vector<16xf32> to vector<16xi32>
    %shift_right_logical3A_129 = arith.constant 16 : i32
    %shift_right_logical3A_130 = vector.broadcast %shift_right_logical3A_129 : i32 to vector<16xi32>
    %shift_right_logical3A_131 = arith.shrui %bitcast3A_128, %shift_right_logical3A_130 : vector<16xi32>
    %and3A_132 = arith.constant 1 : i32
    %and3A_133 = vector.broadcast %and3A_132 : i32 to vector<16xi32>
    %and3A_134 = arith.andi %shift_right_logical3A_131, %and3A_133 : vector<16xi32>
    %add3A_135 = arith.constant 32767 : i32
    %add3A_136 = vector.broadcast %add3A_135 : i32 to vector<16xi32>
    %add3A_137 = arith.addi %bitcast3A_128, %add3A_136 : vector<16xi32>
    %add3A_138 = arith.addi %add3A_137, %and3A_134 : vector<16xi32>
    %and3A_139 = arith.constant -65536 : i32
    %and3A_140 = vector.broadcast %and3A_139 : i32 to vector<16xi32>
    %and3A_141 = arith.andi %add3A_138, %and3A_140 : vector<16xi32>
    %bitcast3A_142 = vector.bitcast %and3A_141 : vector<16xi32> to vector<16xf32>
    %get3A_143 = arith.constant 128 : index
    %get3A_144 = tpu.vector_load %arg12[%get3A_143] {strides = array<i32>} : memref<144xf32, #tpu.memory_space<vmem>>, vector<16xf32>,
    %bitcast3A_145 = vector.bitcast %get3A_144 : vector<16xf32> to vector<16xi32>
    %shift_right_logical3A_146 = arith.constant 16 : i32
    %shift_right_logical3A_147 = vector.broadcast %shift_right_logical3A_146 : i32 to vector<16xi32>
    %shift_right_logical3A_148 = arith.shrui %bitcast3A_145, %shift_right_logical3A_147 : vector<16xi32>
    %and3A_149 = arith.constant 1 : i32
    %and3A_150 = vector.broadcast %and3A_149 : i32 to vector<16xi32>
    %and3A_151 = arith.andi %shift_right_logical3A_148, %and3A_150 : vector<16xi32>
    %add3A_152 = arith.constant 32767 : i32
    %add3A_153 = vector.broadcast %add3A_152 : i32 to vector<16xi32>
    %add3A_154 = arith.addi %bitcast3A_145, %add3A_153 : vector<16xi32>
    %add3A_155 = arith.addi %add3A_154, %and3A_151 : vector<16xi32>
    %and3A_156 = arith.constant -65536 : i32
    %and3A_157 = vector.broadcast %and3A_156 : i32 to vector<16xi32>
    %and3A_158 = arith.andi %add3A_155, %and3A_157 : vector<16xi32>
    %bitcast3A_159 = vector.bitcast %and3A_158 : vector<16xi32> to vector<16xf32>
    %get3A_160 = arith.constant 0 : index
    %get3A_161 = tpu.vector_load %arg13[%get3A_160] {strides = array<i32>} : memref<144xf32, #tpu.memory_space<vmem>>, vector<16xf32>,
    %bitcast3A_162 = vector.bitcast %get3A_161 : vector<16xf32> to vector<16xi32>
    %shift_right_logical3A_163 = arith.constant 16 : i32
    %shift_right_logical3A_164 = vector.broadcast %shift_right_logical3A_163 : i32 to vector<16xi32>
    %shift_right_logical3A_165 = arith.shrui %bitcast3A_162, %shift_right_logical3A_164 : vector<16xi32>
    %and3A_166 = arith.constant 1 : i32
    %and3A_167 = vector.broadcast %and3A_166 : i32 to vector<16xi32>
    %and3A_168 = arith.andi %shift_right_logical3A_165, %and3A_167 : vector<16xi32>
    %add3A_169 = arith.constant 32767 : i32
    %add3A_170 = vector.broadcast %add3A_169 : i32 to vector<16xi32>
    %add3A_171 = arith.addi %bitcast3A_162, %add3A_170 : vector<16xi32>
    %add3A_172 = arith.addi %add3A_171, %and3A_168 : vector<16xi32>
    %and3A_173 = arith.constant -65536 : i32
    %and3A_174 = vector.broadcast %and3A_173 : i32 to vector<16xi32>
    %and3A_175 = arith.andi %add3A_172, %and3A_174 : vector<16xi32>
    %bitcast3A_176 = vector.bitcast %and3A_175 : vector<16xi32> to vector<16xf32>
    %get3A_177 = arith.constant 16 : index
    %get3A_178 = tpu.vector_load %arg13[%get3A_177] {strides = array<i32>} : memref<144xf32, #tpu.memory_space<vmem>>, vector<16xf32>,
    %bitcast3A_179 = vector.bitcast %get3A_178 : vector<16xf32> to vector<16xi32>
    %shift_right_logical3A_180 = arith.constant 16 : i32
    %shift_right_logical3A_181 = vector.broadcast %shift_right_logical3A_180 : i32 to vector<16xi32>
    %shift_right_logical3A_182 = arith.shrui %bitcast3A_179, %shift_right_logical3A_181 : vector<16xi32>
    %and3A_183 = arith.constant 1 : i32
    %and3A_184 = vector.broadcast %and3A_183 : i32 to vector<16xi32>
    %and3A_185 = arith.andi %shift_right_logical3A_182, %and3A_184 : vector<16xi32>
    %add3A_186 = arith.constant 32767 : i32
    %add3A_187 = vector.broadcast %add3A_186 : i32 to vector<16xi32>
    %add3A_188 = arith.addi %bitcast3A_179, %add3A_187 : vector<16xi32>
    %add3A_189 = arith.addi %add3A_188, %and3A_185 : vector<16xi32>
    %and3A_190 = arith.constant -65536 : i32
    %and3A_191 = vector.broadcast %and3A_190 : i32 to vector<16xi32>
    %and3A_192 = arith.andi %add3A_189, %and3A_191 : vector<16xi32>
    %bitcast3A_193 = vector.bitcast %and3A_192 : vector<16xi32> to vector<16xf32>
    %get3A_194 = arith.constant 32 : index
    %get3A_195 = tpu.vector_load %arg13[%get3A_194] {strides = array<i32>} : memref<144xf32, #tpu.memory_space<vmem>>, vector<16xf32>,
    %bitcast3A_196 = vector.bitcast %get3A_195 : vector<16xf32> to vector<16xi32>
    %shift_right_logical3A_197 = arith.constant 16 : i32
    %shift_right_logical3A_198 = vector.broadcast %shift_right_logical3A_197 : i32 to vector<16xi32>
    %shift_right_logical3A_199 = arith.shrui %bitcast3A_196, %shift_right_logical3A_198 : vector<16xi32>
    %and3A_200 = arith.constant 1 : i32
    %and3A_201 = vector.broadcast %and3A_200 : i32 to vector<16xi32>
    %and3A_202 = arith.andi %shift_right_logical3A_199, %and3A_201 : vector<16xi32>
    %add3A_203 = arith.constant 32767 : i32
    %add3A_204 = vector.broadcast %add3A_203 : i32 to vector<16xi32>
    %add3A_205 = arith.addi %bitcast3A_196, %add3A_204 : vector<16xi32>
    %add3A_206 = arith.addi %add3A_205, %and3A_202 : vector<16xi32>
    %and3A_207 = arith.constant -65536 : i32
    %and3A_208 = vector.broadcast %and3A_207 : i32 to vector<16xi32>
    %and3A_209 = arith.andi %add3A_206, %and3A_208 : vector<16xi32>
    %bitcast3A_210 = vector.bitcast %and3A_209 : vector<16xi32> to vector<16xf32>
    %get3A_211 = arith.constant 48 : index
    %get3A_212 = tpu.vector_load %arg13[%get3A_211] {strides = array<i32>} : memref<144xf32, #tpu.memory_space<vmem>>, vector<16xf32>,
    %bitcast3A_213 = vector.bitcast %get3A_212 : vector<16xf32> to vector<16xi32>
    %shift_right_logical3A_214 = arith.constant 16 : i32
    %shift_right_logical3A_215 = vector.broadcast %shift_right_logical3A_214 : i32 to vector<16xi32>
    %shift_right_logical3A_216 = arith.shrui %bitcast3A_213, %shift_right_logical3A_215 : vector<16xi32>
    %and3A_217 = arith.constant 1 : i32
    %and3A_218 = vector.broadcast %and3A_217 : i32 to vector<16xi32>
    %and3A_219 = arith.andi %shift_right_logical3A_216, %and3A_218 : vector<16xi32>
    %add3A_220 = arith.constant 32767 : i32
    %add3A_221 = vector.broadcast %add3A_220 : i32 to vector<16xi32>
    %add3A_222 = arith.addi %bitcast3A_213, %add3A_221 : vector<16xi32>
    %add3A_223 = arith.addi %add3A_222, %and3A_219 : vector<16xi32>
    %and3A_224 = arith.constant -65536 : i32
    %and3A_225 = vector.broadcast %and3A_224 : i32 to vector<16xi32>
    %and3A_226 = arith.andi %add3A_223, %and3A_225 : vector<16xi32>
    %bitcast3A_227 = vector.bitcast %and3A_226 : vector<16xi32> to vector<16xf32>
    %get3A_228 = arith.constant 64 : index
    %get3A_229 = tpu.vector_load %arg13[%get3A_228] {strides = array<i32>} : memref<144xf32, #tpu.memory_space<vmem>>, vector<16xf32>,
    %bitcast3A_230 = vector.bitcast %get3A_229 : vector<16xf32> to vector<16xi32>
    %shift_right_logical3A_231 = arith.constant 16 : i32
    %shift_right_logical3A_232 = vector.broadcast %shift_right_logical3A_231 : i32 to vector<16xi32>
    %shift_right_logical3A_233 = arith.shrui %bitcast3A_230, %shift_right_logical3A_232 : vector<16xi32>
    %and3A_234 = arith.constant 1 : i32
    %and3A_235 = vector.broadcast %and3A_234 : i32 to vector<16xi32>
    %and3A_236 = arith.andi %shift_right_logical3A_233, %and3A_235 : vector<16xi32>
    %add3A_237 = arith.constant 32767 : i32
    %add3A_238 = vector.broadcast %add3A_237 : i32 to vector<16xi32>
    %add3A_239 = arith.addi %bitcast3A_230, %add3A_238 : vector<16xi32>
    %add3A_240 = arith.addi %add3A_239, %and3A_236 : vector<16xi32>
    %and3A_241 = arith.constant -65536 : i32
    %and3A_242 = vector.broadcast %and3A_241 : i32 to vector<16xi32>
    %and3A_243 = arith.andi %add3A_240, %and3A_242 : vector<16xi32>
    %bitcast3A_244 = vector.bitcast %and3A_243 : vector<16xi32> to vector<16xf32>
    %get3A_245 = arith.constant 80 : index
    %get3A_246 = tpu.vector_load %arg13[%get3A_245] {strides = array<i32>} : memref<144xf32, #tpu.memory_space<vmem>>, vector<16xf32>,
    %bitcast3A_247 = vector.bitcast %get3A_246 : vector<16xf32> to vector<16xi32>
    %shift_right_logical3A_248 = arith.constant 16 : i32
    %shift_right_logical3A_249 = vector.broadcast %shift_right_logical3A_248 : i32 to vector<16xi32>
    %shift_right_logical3A_250 = arith.shrui %bitcast3A_247, %shift_right_logical3A_249 : vector<16xi32>
    %and3A_251 = arith.constant 1 : i32
    %and3A_252 = vector.broadcast %and3A_251 : i32 to vector<16xi32>
    %and3A_253 = arith.andi %shift_right_logical3A_250, %and3A_252 : vector<16xi32>
    %add3A_254 = arith.constant 32767 : i32
    %add3A_255 = vector.broadcast %add3A_254 : i32 to vector<16xi32>
    %add3A_256 = arith.addi %bitcast3A_247, %add3A_255 : vector<16xi32>
    %add3A_257 = arith.addi %add3A_256, %and3A_253 : vector<16xi32>
    %and3A_258 = arith.constant -65536 : i32
    %and3A_259 = vector.broadcast %and3A_258 : i32 to vector<16xi32>
    %and3A_260 = arith.andi %add3A_257, %and3A_259 : vector<16xi32>
    %bitcast3A_261 = vector.bitcast %and3A_260 : vector<16xi32> to vector<16xf32>
    %get3A_262 = arith.constant 96 : index
    %get3A_263 = tpu.vector_load %arg13[%get3A_262] {strides = array<i32>} : memref<144xf32, #tpu.memory_space<vmem>>, vector<16xf32>,
    %bitcast3A_264 = vector.bitcast %get3A_263 : vector<16xf32> to vector<16xi32>
    %shift_right_logical3A_265 = arith.constant 16 : i32
    %shift_right_logical3A_266 = vector.broadcast %shift_right_logical3A_265 : i32 to vector<16xi32>
    %shift_right_logical3A_267 = arith.shrui %bitcast3A_264, %shift_right_logical3A_266 : vector<16xi32>
    %and3A_268 = arith.constant 1 : i32
    %and3A_269 = vector.broadcast %and3A_268 : i32 to vector<16xi32>
    %and3A_270 = arith.andi %shift_right_logical3A_267, %and3A_269 : vector<16xi32>
    %add3A_271 = arith.constant 32767 : i32
    %add3A_272 = vector.broadcast %add3A_271 : i32 to vector<16xi32>
    %add3A_273 = arith.addi %bitcast3A_264, %add3A_272 : vector<16xi32>
    %add3A_274 = arith.addi %add3A_273, %and3A_270 : vector<16xi32>
    %and3A_275 = arith.constant -65536 : i32
    %and3A_276 = vector.broadcast %and3A_275 : i32 to vector<16xi32>
    %and3A_277 = arith.andi %add3A_274, %and3A_276 : vector<16xi32>
    %bitcast3A_278 = vector.bitcast %and3A_277 : vector<16xi32> to vector<16xf32>
    %get3A_279 = arith.constant 112 : index
    %get3A_280 = tpu.vector_load %arg13[%get3A_279] {strides = array<i32>} : memref<144xf32, #tpu.memory_space<vmem>>, vector<16xf32>,
    %bitcast3A_281 = vector.bitcast %get3A_280 : vector<16xf32> to vector<16xi32>
    %shift_right_logical3A_282 = arith.constant 16 : i32
    %shift_right_logical3A_283 = vector.broadcast %shift_right_logical3A_282 : i32 to vector<16xi32>
    %shift_right_logical3A_284 = arith.shrui %bitcast3A_281, %shift_right_logical3A_283 : vector<16xi32>
    %and3A_285 = arith.constant 1 : i32
    %and3A_286 = vector.broadcast %and3A_285 : i32 to vector<16xi32>
    %and3A_287 = arith.andi %shift_right_logical3A_284, %and3A_286 : vector<16xi32>
    %add3A_288 = arith.constant 32767 : i32
    %add3A_289 = vector.broadcast %add3A_288 : i32 to vector<16xi32>
    %add3A_290 = arith.addi %bitcast3A_281, %add3A_289 : vector<16xi32>
    %add3A_291 = arith.addi %add3A_290, %and3A_287 : vector<16xi32>
    %and3A_292 = arith.constant -65536 : i32
    %and3A_293 = vector.broadcast %and3A_292 : i32 to vector<16xi32>
    %and3A_294 = arith.andi %add3A_291, %and3A_293 : vector<16xi32>
    %bitcast3A_295 = vector.bitcast %and3A_294 : vector<16xi32> to vector<16xf32>
    %get3A_296 = arith.constant 128 : index
    %get3A_297 = tpu.vector_load %arg13[%get3A_296] {strides = array<i32>} : memref<144xf32, #tpu.memory_space<vmem>>, vector<16xf32>,
    %bitcast3A_298 = vector.bitcast %get3A_297 : vector<16xf32> to vector<16xi32>
    %shift_right_logical3A_299 = arith.constant 16 : i32
    %shift_right_logical3A_300 = vector.broadcast %shift_right_logical3A_299 : i32 to vector<16xi32>
    %shift_right_logical3A_301 = arith.shrui %bitcast3A_298, %shift_right_logical3A_300 : vector<16xi32>
    %and3A_302 = arith.constant 1 : i32
    %and3A_303 = vector.broadcast %and3A_302 : i32 to vector<16xi32>
    %and3A_304 = arith.andi %shift_right_logical3A_301, %and3A_303 : vector<16xi32>
    %add3A_305 = arith.constant 32767 : i32
    %add3A_306 = vector.broadcast %add3A_305 : i32 to vector<16xi32>
    %add3A_307 = arith.addi %bitcast3A_298, %add3A_306 : vector<16xi32>
    %add3A_308 = arith.addi %add3A_307, %and3A_304 : vector<16xi32>
    %and3A_309 = arith.constant -65536 : i32
    %and3A_310 = vector.broadcast %and3A_309 : i32 to vector<16xi32>
    %and3A_311 = arith.andi %add3A_308, %and3A_310 : vector<16xi32>
    %bitcast3A_312 = vector.bitcast %and3A_311 : vector<16xi32> to vector<16xf32>
    %broadcast_in_dim3A = arith.constant 0x7F800000 : f32
    %broadcast_in_dim3A_313 = vector.broadcast %broadcast_in_dim3A : f32 to vector<16xf32>
    %broadcast_in_dim3A_314 = arith.constant 0x7F800000 : f32
    %broadcast_in_dim3A_315 = vector.broadcast %broadcast_in_dim3A_314 : f32 to vector<16xf32>
    %broadcast_in_dim3A_316 = arith.constant 0x7F800000 : f32
    %broadcast_in_dim3A_317 = vector.broadcast %broadcast_in_dim3A_316 : f32 to vector<16xf32>
    %broadcast_in_dim3A_318 = arith.constant 0x7F800000 : f32
    %broadcast_in_dim3A_319 = vector.broadcast %broadcast_in_dim3A_318 : f32 to vector<16xf32>
    %broadcast_in_dim3A_320 = arith.constant 0x7F800000 : f32
    %broadcast_in_dim3A_321 = vector.broadcast %broadcast_in_dim3A_320 : f32 to vector<16xf32>
    %broadcast_in_dim3A_322 = arith.constant 0x7F800000 : f32
    %broadcast_in_dim3A_323 = vector.broadcast %broadcast_in_dim3A_322 : f32 to vector<16xf32>
    %broadcast_in_dim3A_324 = arith.constant 0x7F800000 : f32
    %broadcast_in_dim3A_325 = vector.broadcast %broadcast_in_dim3A_324 : f32 to vector<16xf32>
    %broadcast_in_dim3A_326 = arith.constant 0x7F800000 : f32
    %broadcast_in_dim3A_327 = vector.broadcast %broadcast_in_dim3A_326 : f32 to vector<16xf32>
    %broadcast_in_dim3A_328 = arith.constant 0x7F800000 : f32
    %broadcast_in_dim3A_329 = vector.broadcast %broadcast_in_dim3A_328 : f32 to vector<16xf32>
    %scan3A_330 = arith.constant 0 : i32
    %scan3A_331 = arith.constant 4096 : i32
    %scan3A_332 = arith.addi %scan3A_330, %scan3A_331 : i32
    %scan3A_333 = arith.constant 1 : i32
    %scan3A_334:9 = scf.for %scan3A_428 = %scan3A_330 to %scan3A_332 step %scan3A_333 iter_args(%scan3A_429 = %broadcast_in_dim3A_313, %scan3A_430 = %broadcast_in_dim3A_315, %scan3A_431 = %broadcast_in_dim3A_317, %scan3A_432 = %broadcast_in_dim3A_319, %scan3A_433 = %broadcast_in_dim3A_321, %scan3A_434 = %broadcast_in_dim3A_323, %scan3A_435 = %broadcast_in_dim3A_325, %scan3A_436 = %broadcast_in_dim3A_327, %scan3A_437 = %broadcast_in_dim3A_329) -> (vector<16xf32>, vector<16xf32>, vector<16xf32>, vector<16xf32>, vector<16xf32>, vector<16xf32>, vector<16xf32>, vector<16xf32>, vector<16xf32>)  : i32 {
      %broadcast_in_dim3A_438 = vector.broadcast %scan3A_428 : i32 to vector<16xi32>
      %gather3A = tpu.vector_load_idx %arg9[%broadcast_in_dim3A_438] : memref<4096xf32, #tpu.memory_space<vmem>>[vector<16xi32>], vector<16xf32>,
      %gather3A_439 = tpu.vector_load_idx %arg10[%broadcast_in_dim3A_438] : memref<4096xf32, #tpu.memory_space<vmem>>[vector<16xi32>], vector<16xf32>,
      %gather3A_440 = tpu.vector_load_idx %arg11[%broadcast_in_dim3A_438] : memref<4096xf32, #tpu.memory_space<vmem>>[vector<16xi32>], vector<16xf32>,
      %mul3A_441 = arith.mulf %bitcast3A_23, %gather3A : vector<16xf32>
      %add3A_442 = arith.addf %mul3A_441, %gather3A_440 : vector<16xf32>
      %mul3A_443 = arith.mulf %bitcast3A_176, %gather3A_439 : vector<16xf32>
      %add3A_444 = arith.addf %mul3A_443, %add3A_442 : vector<16xf32>
      %min3A = arith.minimumf %scan3A_429, %add3A_444 : vector<16xf32>
      %mul3A_445 = arith.mulf %bitcast3A_40, %gather3A : vector<16xf32>
      %add3A_446 = arith.addf %mul3A_445, %gather3A_440 : vector<16xf32>
      %mul3A_447 = arith.mulf %bitcast3A_193, %gather3A_439 : vector<16xf32>
      %add3A_448 = arith.addf %mul3A_447, %add3A_446 : vector<16xf32>
      %min3A_449 = arith.minimumf %scan3A_430, %add3A_448 : vector<16xf32>
      %mul3A_450 = arith.mulf %bitcast3A_57, %gather3A : vector<16xf32>
      %add3A_451 = arith.addf %mul3A_450, %gather3A_440 : vector<16xf32>
      %mul3A_452 = arith.mulf %bitcast3A_210, %gather3A_439 : vector<16xf32>
      %add3A_453 = arith.addf %mul3A_452, %add3A_451 : vector<16xf32>
      %min3A_454 = arith.minimumf %scan3A_431, %add3A_453 : vector<16xf32>
      %mul3A_455 = arith.mulf %bitcast3A_74, %gather3A : vector<16xf32>
      %add3A_456 = arith.addf %mul3A_455, %gather3A_440 : vector<16xf32>
      %mul3A_457 = arith.mulf %bitcast3A_227, %gather3A_439 : vector<16xf32>
      %add3A_458 = arith.addf %mul3A_457, %add3A_456 : vector<16xf32>
      %min3A_459 = arith.minimumf %scan3A_432, %add3A_458 : vector<16xf32>
      %mul3A_460 = arith.mulf %bitcast3A_91, %gather3A : vector<16xf32>
      %add3A_461 = arith.addf %mul3A_460, %gather3A_440 : vector<16xf32>
      %mul3A_462 = arith.mulf %bitcast3A_244, %gather3A_439 : vector<16xf32>
      %add3A_463 = arith.addf %mul3A_462, %add3A_461 : vector<16xf32>
      %min3A_464 = arith.minimumf %scan3A_433, %add3A_463 : vector<16xf32>
      %mul3A_465 = arith.mulf %bitcast3A_108, %gather3A : vector<16xf32>
      %add3A_466 = arith.addf %mul3A_465, %gather3A_440 : vector<16xf32>
      %mul3A_467 = arith.mulf %bitcast3A_261, %gather3A_439 : vector<16xf32>
      %add3A_468 = arith.addf %mul3A_467, %add3A_466 : vector<16xf32>
      %min3A_469 = arith.minimumf %scan3A_434, %add3A_468 : vector<16xf32>
      %mul3A_470 = arith.mulf %bitcast3A_125, %gather3A : vector<16xf32>
      %add3A_471 = arith.addf %mul3A_470, %gather3A_440 : vector<16xf32>
      %mul3A_472 = arith.mulf %bitcast3A_278, %gather3A_439 : vector<16xf32>
      %add3A_473 = arith.addf %mul3A_472, %add3A_471 : vector<16xf32>
      %min3A_474 = arith.minimumf %scan3A_435, %add3A_473 : vector<16xf32>
      %mul3A_475 = arith.mulf %bitcast3A_142, %gather3A : vector<16xf32>
      %add3A_476 = arith.addf %mul3A_475, %gather3A_440 : vector<16xf32>
      %mul3A_477 = arith.mulf %bitcast3A_295, %gather3A_439 : vector<16xf32>
      %add3A_478 = arith.addf %mul3A_477, %add3A_476 : vector<16xf32>
      %min3A_479 = arith.minimumf %scan3A_436, %add3A_478 : vector<16xf32>
      %mul3A_480 = arith.mulf %bitcast3A_159, %gather3A : vector<16xf32>
      %add3A_481 = arith.addf %mul3A_480, %gather3A_440 : vector<16xf32>
      %mul3A_482 = arith.mulf %bitcast3A_312, %gather3A_439 : vector<16xf32>
      %add3A_483 = arith.addf %mul3A_482, %add3A_481 : vector<16xf32>
      %min3A_484 = arith.minimumf %scan3A_437, %add3A_483 : vector<16xf32>
      scf.yield %min3A, %min3A_449, %min3A_454, %min3A_459, %min3A_464, %min3A_469, %min3A_474, %min3A_479, %min3A_484 : vector<16xf32>, vector<16xf32>, vector<16xf32>, vector<16xf32>, vector<16xf32>, vector<16xf32>, vector<16xf32>, vector<16xf32>, vector<16xf32>
    }
    %scan3A_335 = arith.constant 4096 : i32
    %get3A_336 = arith.constant 0 : index
    %get3A_337 = tpu.vector_load %arg12[%get3A_336] {strides = array<i32>} : memref<144xf32, #tpu.memory_space<vmem>>, vector<16xf32>,
    %get3A_338 = arith.constant 0 : index
    %get3A_339 = tpu.vector_load %arg13[%get3A_338] {strides = array<i32>} : memref<144xf32, #tpu.memory_space<vmem>>, vector<16xf32>,
    %mul3A_340 = arith.mulf %get3A_337, %get3A_337 : vector<16xf32>
    %mul3A_341 = arith.mulf %get3A_339, %get3A_339 : vector<16xf32>
    %add3A_342 = arith.addf %mul3A_340, %mul3A_341 : vector<16xf32>
    %add3A_343 = arith.addf %scan3A_334#0, %add3A_342 : vector<16xf32>
    %swap3A = arith.constant 0 : index
    %swap3A_344 = tpu.vector_load %arg14[%swap3A] {strides = array<i32>} : memref<144xf32, #tpu.memory_space<vmem>>, vector<16xf32>,
    tpu.vector_store %arg14[%swap3A], %add3A_343 {strides = array<i32>} : memref<144xf32, #tpu.memory_space<vmem>>, vector<16xf32>,
    %get3A_345 = arith.constant 16 : index
    %get3A_346 = tpu.vector_load %arg12[%get3A_345] {strides = array<i32>} : memref<144xf32, #tpu.memory_space<vmem>>, vector<16xf32>,
    %get3A_347 = arith.constant 16 : index
    %get3A_348 = tpu.vector_load %arg13[%get3A_347] {strides = array<i32>} : memref<144xf32, #tpu.memory_space<vmem>>, vector<16xf32>,
    %mul3A_349 = arith.mulf %get3A_346, %get3A_346 : vector<16xf32>
    %mul3A_350 = arith.mulf %get3A_348, %get3A_348 : vector<16xf32>
    %add3A_351 = arith.addf %mul3A_349, %mul3A_350 : vector<16xf32>
    %add3A_352 = arith.addf %scan3A_334#1, %add3A_351 : vector<16xf32>
    %swap3A_353 = arith.constant 16 : index
    %swap3A_354 = tpu.vector_load %arg14[%swap3A_353] {strides = array<i32>} : memref<144xf32, #tpu.memory_space<vmem>>, vector<16xf32>,
    tpu.vector_store %arg14[%swap3A_353], %add3A_352 {strides = array<i32>} : memref<144xf32, #tpu.memory_space<vmem>>, vector<16xf32>,
    %get3A_355 = arith.constant 32 : index
    %get3A_356 = tpu.vector_load %arg12[%get3A_355] {strides = array<i32>} : memref<144xf32, #tpu.memory_space<vmem>>, vector<16xf32>,
    %get3A_357 = arith.constant 32 : index
    %get3A_358 = tpu.vector_load %arg13[%get3A_357] {strides = array<i32>} : memref<144xf32, #tpu.memory_space<vmem>>, vector<16xf32>,
    %mul3A_359 = arith.mulf %get3A_356, %get3A_356 : vector<16xf32>
    %mul3A_360 = arith.mulf %get3A_358, %get3A_358 : vector<16xf32>
    %add3A_361 = arith.addf %mul3A_359, %mul3A_360 : vector<16xf32>
    %add3A_362 = arith.addf %scan3A_334#2, %add3A_361 : vector<16xf32>
    %swap3A_363 = arith.constant 32 : index
    %swap3A_364 = tpu.vector_load %arg14[%swap3A_363] {strides = array<i32>} : memref<144xf32, #tpu.memory_space<vmem>>, vector<16xf32>,
    tpu.vector_store %arg14[%swap3A_363], %add3A_362 {strides = array<i32>} : memref<144xf32, #tpu.memory_space<vmem>>, vector<16xf32>,
    %get3A_365 = arith.constant 48 : index
    %get3A_366 = tpu.vector_load %arg12[%get3A_365] {strides = array<i32>} : memref<144xf32, #tpu.memory_space<vmem>>, vector<16xf32>,
    %get3A_367 = arith.constant 48 : index
    %get3A_368 = tpu.vector_load %arg13[%get3A_367] {strides = array<i32>} : memref<144xf32, #tpu.memory_space<vmem>>, vector<16xf32>,
    %mul3A_369 = arith.mulf %get3A_366, %get3A_366 : vector<16xf32>
    %mul3A_370 = arith.mulf %get3A_368, %get3A_368 : vector<16xf32>
    %add3A_371 = arith.addf %mul3A_369, %mul3A_370 : vector<16xf32>
    %add3A_372 = arith.addf %scan3A_334#3, %add3A_371 : vector<16xf32>
    %swap3A_373 = arith.constant 48 : index
    %swap3A_374 = tpu.vector_load %arg14[%swap3A_373] {strides = array<i32>} : memref<144xf32, #tpu.memory_space<vmem>>, vector<16xf32>,
    tpu.vector_store %arg14[%swap3A_373], %add3A_372 {strides = array<i32>} : memref<144xf32, #tpu.memory_space<vmem>>, vector<16xf32>,
    %get3A_375 = arith.constant 64 : index
    %get3A_376 = tpu.vector_load %arg12[%get3A_375] {strides = array<i32>} : memref<144xf32, #tpu.memory_space<vmem>>, vector<16xf32>,
    %get3A_377 = arith.constant 64 : index
    %get3A_378 = tpu.vector_load %arg13[%get3A_377] {strides = array<i32>} : memref<144xf32, #tpu.memory_space<vmem>>, vector<16xf32>,
    %mul3A_379 = arith.mulf %get3A_376, %get3A_376 : vector<16xf32>
    %mul3A_380 = arith.mulf %get3A_378, %get3A_378 : vector<16xf32>
    %add3A_381 = arith.addf %mul3A_379, %mul3A_380 : vector<16xf32>
    %add3A_382 = arith.addf %scan3A_334#4, %add3A_381 : vector<16xf32>
    %swap3A_383 = arith.constant 64 : index
    %swap3A_384 = tpu.vector_load %arg14[%swap3A_383] {strides = array<i32>} : memref<144xf32, #tpu.memory_space<vmem>>, vector<16xf32>,
    tpu.vector_store %arg14[%swap3A_383], %add3A_382 {strides = array<i32>} : memref<144xf32, #tpu.memory_space<vmem>>, vector<16xf32>,
    %get3A_385 = arith.constant 80 : index
    %get3A_386 = tpu.vector_load %arg12[%get3A_385] {strides = array<i32>} : memref<144xf32, #tpu.memory_space<vmem>>, vector<16xf32>,
    %get3A_387 = arith.constant 80 : index
    %get3A_388 = tpu.vector_load %arg13[%get3A_387] {strides = array<i32>} : memref<144xf32, #tpu.memory_space<vmem>>, vector<16xf32>,
    %mul3A_389 = arith.mulf %get3A_386, %get3A_386 : vector<16xf32>
    %mul3A_390 = arith.mulf %get3A_388, %get3A_388 : vector<16xf32>
    %add3A_391 = arith.addf %mul3A_389, %mul3A_390 : vector<16xf32>
    %add3A_392 = arith.addf %scan3A_334#5, %add3A_391 : vector<16xf32>
    %swap3A_393 = arith.constant 80 : index
    %swap3A_394 = tpu.vector_load %arg14[%swap3A_393] {strides = array<i32>} : memref<144xf32, #tpu.memory_space<vmem>>, vector<16xf32>,
    tpu.vector_store %arg14[%swap3A_393], %add3A_392 {strides = array<i32>} : memref<144xf32, #tpu.memory_space<vmem>>, vector<16xf32>,
    %get3A_395 = arith.constant 96 : index
    %get3A_396 = tpu.vector_load %arg12[%get3A_395] {strides = array<i32>} : memref<144xf32, #tpu.memory_space<vmem>>, vector<16xf32>,
    %get3A_397 = arith.constant 96 : index
    %get3A_398 = tpu.vector_load %arg13[%get3A_397] {strides = array<i32>} : memref<144xf32, #tpu.memory_space<vmem>>, vector<16xf32>,
    %mul3A_399 = arith.mulf %get3A_396, %get3A_396 : vector<16xf32>
    %mul3A_400 = arith.mulf %get3A_398, %get3A_398 : vector<16xf32>
    %add3A_401 = arith.addf %mul3A_399, %mul3A_400 : vector<16xf32>
    %add3A_402 = arith.addf %scan3A_334#6, %add3A_401 : vector<16xf32>
    %swap3A_403 = arith.constant 96 : index
    %swap3A_404 = tpu.vector_load %arg14[%swap3A_403] {strides = array<i32>} : memref<144xf32, #tpu.memory_space<vmem>>, vector<16xf32>,
    tpu.vector_store %arg14[%swap3A_403], %add3A_402 {strides = array<i32>} : memref<144xf32, #tpu.memory_space<vmem>>, vector<16xf32>,
    %get3A_405 = arith.constant 112 : index
    %get3A_406 = tpu.vector_load %arg12[%get3A_405] {strides = array<i32>} : memref<144xf32, #tpu.memory_space<vmem>>, vector<16xf32>,
    %get3A_407 = arith.constant 112 : index
    %get3A_408 = tpu.vector_load %arg13[%get3A_407] {strides = array<i32>} : memref<144xf32, #tpu.memory_space<vmem>>, vector<16xf32>,
    %mul3A_409 = arith.mulf %get3A_406, %get3A_406 : vector<16xf32>
    %mul3A_410 = arith.mulf %get3A_408, %get3A_408 : vector<16xf32>
    %add3A_411 = arith.addf %mul3A_409, %mul3A_410 : vector<16xf32>
    %add3A_412 = arith.addf %scan3A_334#7, %add3A_411 : vector<16xf32>
    %swap3A_413 = arith.constant 112 : index
    %swap3A_414 = tpu.vector_load %arg14[%swap3A_413] {strides = array<i32>} : memref<144xf32, #tpu.memory_space<vmem>>, vector<16xf32>,
    tpu.vector_store %arg14[%swap3A_413], %add3A_412 {strides = array<i32>} : memref<144xf32, #tpu.memory_space<vmem>>, vector<16xf32>,
    %get3A_415 = arith.constant 128 : index
    %get3A_416 = tpu.vector_load %arg12[%get3A_415] {strides = array<i32>} : memref<144xf32, #tpu.memory_space<vmem>>, vector<16xf32>,
    %get3A_417 = arith.constant 128 : index
    %get3A_418 = tpu.vector_load %arg13[%get3A_417] {strides = array<i32>} : memref<144xf32, #tpu.memory_space<vmem>>, vector<16xf32>,
    %mul3A_419 = arith.mulf %get3A_416, %get3A_416 : vector<16xf32>
    %mul3A_420 = arith.mulf %get3A_418, %get3A_418 : vector<16xf32>
    %add3A_421 = arith.addf %mul3A_419, %mul3A_420 : vector<16xf32>
    %add3A_422 = arith.addf %scan3A_334#8, %add3A_421 : vector<16xf32>
    %swap3A_423 = arith.constant 128 : index
    %swap3A_424 = tpu.vector_load %arg14[%swap3A_423] {strides = array<i32>} : memref<144xf32, #tpu.memory_space<vmem>>, vector<16xf32>,
    tpu.vector_store %arg14[%swap3A_423], %add3A_422 {strides = array<i32>} : memref<144xf32, #tpu.memory_space<vmem>>, vector<16xf32>,
    %mul3A_425 = arith.constant 2 : i32
    %mul3A_426 = arith.muli %arg1, %mul3A_425 : i32
    %add3A_427 = arith.addi %mul3A_426, %arg0 : i32
    "tpu.region"() ({
      %run_scoped3A = tpu.sem_alloc : memref<!tpu.dma_semaphore, #tpu.memory_space<semaphore_mem>>
      %dma_start3A = arith.constant 0 : i32
      %dma_start3A_428 = tpu.memref_slice %arg6[%add3A_427, %dma_start3A] : memref<32x144xf32, #tpu.memory_space<hbm>> -> memref<1x144xf32, #tpu.memory_space<hbm>>
      %dma_start3A_429 = tpu.memref_squeeze %dma_start3A_428 : memref<1x144xf32, #tpu.memory_space<hbm>> -> memref<144xf32, #tpu.memory_space<hbm>>
      %dma_start3A_430 = arith.constant 0 : i32
      %dma_start3A_431 = tpu.memref_slice %arg6[%add3A_427, %dma_start3A_430] : memref<32x144xf32, #tpu.memory_space<hbm>> -> memref<1x144xf32, #tpu.memory_space<hbm>>
      %dma_start3A_432 = tpu.memref_squeeze %dma_start3A_431 : memref<1x144xf32, #tpu.memory_space<hbm>> -> memref<144xf32, #tpu.memory_space<hbm>>
      tpu.enqueue_dma source(%arg14 : memref<144xf32, #tpu.memory_space<vmem>>) target(%dma_start3A_432 : memref<144xf32, #tpu.memory_space<hbm>>) target_semaphore(%run_scoped3A : memref<!tpu.dma_semaphore, #tpu.memory_space<semaphore_mem>>)
      %dma_wait3A = arith.constant 0 : i32
      %dma_wait3A_433 = tpu.memref_slice %arg6[%add3A_427, %dma_wait3A] : memref<32x144xf32, #tpu.memory_space<hbm>> -> memref<1x144xf32, #tpu.memory_space<hbm>>
      %dma_wait3A_434 = tpu.memref_squeeze %dma_wait3A_433 : memref<1x144xf32, #tpu.memory_space<hbm>> -> memref<144xf32, #tpu.memory_space<hbm>>
      %dma_wait3A_435 = arith.constant 0 : i32
      %dma_wait3A_436 = tpu.memref_slice %arg6[%add3A_427, %dma_wait3A_435] : memref<32x144xf32, #tpu.memory_space<hbm>> -> memref<1x144xf32, #tpu.memory_space<hbm>>
      %dma_wait3A_437 = tpu.memref_squeeze %dma_wait3A_436 : memref<1x144xf32, #tpu.memory_space<hbm>> -> memref<144xf32, #tpu.memory_space<hbm>>
      tpu.wait_dma2 semaphore(%run_scoped3A : memref<!tpu.dma_semaphore, #tpu.memory_space<semaphore_mem>>) src(%arg14 : memref<144xf32, #tpu.memory_space<vmem>>) dst(%dma_wait3A_437 : memref<144xf32, #tpu.memory_space<hbm>>)
      tpu.yield
    }) : () -> ()
    return
  }
}

module attributes {stable_mosaic.version = 14 : i64} {
  func.func @_tc_body(%arg0: i32, %arg1: memref<736x2xf32, #tpu.memory_space<vmem>>, %arg2: memref<8192x2xf32, #tpu.memory_space<vmem>>, %arg3: memref<736x1xf32, #tpu.memory_space<vmem>>) attributes {dimension_semantics = [#tpu.dimension_semantics<arbitrary>], iteration_bounds = array<i64: 8>, scalar_prefetch = 0 : i64, scratch_operands = 0 : i64, tpu.core_type = #tpu.core_type<tc>, window_params = [{transform_indices = @transform_0, window_bounds = array<i64: 736, 2>}, {pipeline_mode = #tpu.pipeline_mode<synchronous>, transform_indices = @transform_1, window_bounds = array<i64: 8192, 2>}, {transform_indices = @transform_2, window_bounds = array<i64: 736, 1>}]} {
    %get3A = arith.constant 0 : index
    %get3A_0 = arith.constant 0 : index
    %get3A_1 = vector.load %arg1[%get3A, %get3A_0] : memref<736x2xf32, #tpu.memory_space<vmem>>, vector<736x2xf32>
    %mul3A = arith.mulf %get3A_1, %get3A_1 : vector<736x2xf32>
    %reduce_sum3A = arith.constant dense<0.000000e+00> : vector<736xf32>
    %reduce_sum3A_2 = vector.multi_reduction <add>, %mul3A, %reduce_sum3A [1] : vector<736x2xf32> to vector<736xf32>
    %broadcast_in_dim3A = vector.shape_cast %reduce_sum3A_2 : vector<736xf32> to vector<736x1xf32>
    %get3A_3 = arith.constant 0 : index
    %get3A_4 = arith.constant 0 : index
    %get3A_5 = vector.load %arg2[%get3A_3, %get3A_4] : memref<8192x2xf32, #tpu.memory_space<vmem>>, vector<8192x2xf32>
    %mul3A_6 = arith.mulf %get3A_5, %get3A_5 : vector<8192x2xf32>
    %reduce_sum3A_7 = arith.constant dense<0.000000e+00> : vector<8192xf32>
    %reduce_sum3A_8 = vector.multi_reduction <add>, %mul3A_6, %reduce_sum3A_7 [1] : vector<8192x2xf32> to vector<8192xf32>
    %broadcast_in_dim3A_9 = vector.shape_cast %reduce_sum3A_8 : vector<8192xf32> to vector<8192x1xf32>
    %transpose3A = tpu.transpose %broadcast_in_dim3A_9, [1, 0] : vector<8192x1xf32> -> vector<1x8192xf32>
    %mul3A_10 = arith.constant 2.000000e+00 : f32
    %mul3A_11 = vector.broadcast %mul3A_10 : f32 to vector<736x2xf32>
    %mul3A_12 = arith.mulf %mul3A_11, %get3A_1 : vector<736x2xf32>
    %convert_element_type3A = arith.truncf %mul3A_12 : vector<736x2xf32> to vector<736x2xbf16>
    %convert_element_type3A_13 = arith.truncf %get3A_5 : vector<8192x2xf32> to vector<8192x2xbf16>
    %dot_general3A = arith.constant dense<0.000000e+00> : vector<736x8192xf32>
    %dot_general3A_14 = tpu.matmul %convert_element_type3A, %convert_element_type3A_13, %dot_general3A {dimension_numbers = #tpu.dot_dimension_numbers<[1], [1], [0], [0], [0, 0, 1, 0], [], []>, transpose_lhs_hint = false} : vector<736x2xbf16>, vector<8192x2xbf16>, vector<736x8192xf32> -> vector<736x8192xf32>
    %sub3A = vector.broadcast %transpose3A : vector<1x8192xf32> to vector<736x8192xf32>
    %sub3A_15 = arith.subf %sub3A, %dot_general3A_14 : vector<736x8192xf32>
    %reduce_min3A = arith.constant dense<0x7F800000> : vector<736xf32>
    %reduce_min3A_16 = vector.multi_reduction <minimumf>, %sub3A_15, %reduce_min3A [1] : vector<736x8192xf32> to vector<736xf32>
    %broadcast_in_dim3A_17 = vector.shape_cast %reduce_min3A_16 : vector<736xf32> to vector<736x1xf32>
    %add3A = arith.addf %broadcast_in_dim3A_17, %broadcast_in_dim3A : vector<736x1xf32>
    %swap3A = arith.constant 0 : index
    %swap3A_18 = arith.constant 0 : index
    %swap3A_19 = vector.load %arg3[%swap3A, %swap3A_18] : memref<736x1xf32, #tpu.memory_space<vmem>>, vector<736x1xf32>
    tpu.vector_store %arg3[%swap3A, %swap3A_18], %add3A {strides = array<i32>} : memref<736x1xf32, #tpu.memory_space<vmem>>, vector<736x1xf32>,
    return
  }
  func.func @transform_0(%arg0: i32) -> (i32, i32) {
    %c0_i32 = arith.constant 0 : i32
    %c0_i32_0 = arith.constant 0 : i32
    return %arg0, %c0_i32 : i32, i32
  }
  func.func @transform_1(%arg0: i32) -> (i32, i32) {
    %c0_i32 = arith.constant 0 : i32
    %c0_i32_0 = arith.constant 0 : i32
    %c0_i32_1 = arith.constant 0 : i32
    return %c0_i32, %c0_i32_0 : i32, i32
  }
  func.func @transform_2(%arg0: i32) -> (i32, i32) {
    %c0_i32 = arith.constant 0 : i32
    %c0_i32_0 = arith.constant 0 : i32
    return %arg0, %c0_i32 : i32, i32
  }
}

</mosaic_0001>

<sc_bundles>
// kernel: kernel.4.cloned.1.call-start
scs
__scs_entry_jumppad:
0x0: {  	(pc) =	sbr.rel $0x88, $3  }
0x1: {  	(tag) =	ssettag $0x0;
	lr =	simm.s32 $0x1  }
0x2: {  	[smem:$0x3F9F] =	sst lr;
	_ =	strace $0xD0000000  }
0x3: {  	_ = 	snop  }
0x4: {  	_ = 	snop  }
0x5: {  	_ = 	snop  }
0x6: {  	_ = 	snop  }
0x7: {  	_ = 	snop  }
__scs_overlays_trampoline_lowered:
0x8: {  	[smem:$0x3FAE] =	sst s0  }
0x9: {  	[smem:$0x3FAF] =	sst s1  }
0xa: {  	[smem:$0x3FB0] =	sst s2  }
0xb: {  	[smem:$0x3FB1] =	sst s3  }
0xc: {  	[smem:$0x3FB2] =	sst s4  }
0xd: {  	[smem:$0x3FB3] =	sst s5  }
0xe: {  	[smem:$0x3FB4] =	sst s6  }
0xf: {  	[smem:$0x3FB5] =	sst s7  }
0x10: {  	[smem:$0x3FB6] =	sst s8  }
0x11: {  	[smem:$0x3FB7] =	sst s9;
	s0 =	simm.s32 @!p0 $0x0  }
0x12: {  	s1 =	sld [smem:$0x3F9D];
	s0 =	simm.s32 @p0 $0x1  }
0x13: {  	[smem:$0x3FB8] =	sst s0;
	s0 =	simm.s32 @!p1 $0x0  }
0x14: {  	s2 =	sld [smem:$0x3F9C];
	s0 =	simm.s32 @p1 $0x1  }
0x15: {  	[smem:$0x3FB9] =	sst s0;
	s0 =	simm.s32 @!p2 $0x0  }
0x16: {  	s3 =	sld [smem:$0x3FDB];
	s0 =	simm.s32 @p2 $0x1  }
0x17: {  	s4 =	simm.s32 $0x1BF5;
	[smem:$0x3FBB] =	sst s0  }
0x18: {  	s0 =	sld [smem:$0x3F9E];
	_ =	swait.ge [sflag:s4], $0x0  }
0x19: {  	s7 =	sld [smem:$0x3F9F]  }
0x1a: {  	s8 =	sadd.s32 $0xFFFFE003, lr  }
0x1b: {  	s9 =	sadd.s32 $0xFFFFFEF7, lr;
	s5 =	simm.s32 $0xFFFFFFFF;
	p2 =	slt.u32 s8, $0xFFFFF086  }
0x1c: {  	p1 =	slt.u32 s9, $0xF7A;
	s5 =	simm.s32 @!p2 $0x0  }
0x1d: {  	s5 =	simm.s32 @p1 $0x1;
	p0 =	seq.s32 s7, s2  }
0x1e: {  	s7 =	smul.u32 @!p0 $0xF7A, s2;
	p2 =	seq.s32 @!p0 s5, $0x0  }
0x1f: {  	s9 =	smul.u32 $0xF7A, s1;
	s8 =	simm.s32 @!p0 $0x1BF5;
	p2 =	por !p2, p0  }
0x20: {  	[sflag:s8] =	ssyncset.s32 @!p0 $0xFFFFF086;
	s6 =	sadd.s32 @!p0 s3, s7;
	s7 =	simm.s32 @!p0 $0x108  }
0x21: {  	s3 =	sadd.s32 s3, s9;
	s6 =	sadd.s32 @!p0 $0x88, s6;
	s7 =	simm.s32 @p2 $0x1082  }
0x22: {  	[simem:s7], [sflag:s8] =	dma.local @!p0 [hbm:s6], $0xF7A  }
0x23: {  	s9 =	sor.u32 $0xD0000000, s2;
	s6 =	simm.s32 $0x108;
	_ =	swait.ge @!p0 [sflag:s8], $0x0  }
0x24: {  	s3 =	sadd.s32 $0x88, s3;
	s6 =	simm.s32 @!p1 $0x1082;
	[sflag:s4] =	ssyncset.s32 $0xFFFFF086  }
0x25: {  	[simem:s6], [sflag:s4] =	dma.local [hbm:s3], $0xF7A  }
0x26: {  	[smem:$0x3F9F] =	sst s1;
	(tag) =	ssettag s2;
	_ =	strace s9  }
0x27: {  	s1 =	sld [smem:$0x3FAF]  }
0x28: {  	s2 =	sld [smem:$0x3FB0]  }
0x29: {  	s4 =	sld [smem:$0x3FB2]  }
0x2a: {  	p0 =	seq.s32 s5, $0x0;
	s5 =	sld [smem:$0x3FB3]  }
0x2b: {  	s6 =	sld [smem:$0x3FB4]  }
0x2c: {  	s7 =	sld [smem:$0x3FB5]  }
0x2d: {  	s3 =	simm.s32 $0x108;
	s8 =	sld [smem:$0x3FB6]  }
0x2e: {  	s3 =	simm.s32 @!p0 $0x1082;
	s9 =	sld [smem:$0x3FB7]  }
0x2f: {  	lr =	sadd.s32 s0, s3;
	s0 =	sld [smem:$0x3FAE]  }
0x30: {  	s3 =	sld [smem:$0x3FB1]  }
0x31: {  	[smem:$0x3FBA] =	sst s10  }
0x32: {  	s10 =	sld [smem:$0x3FB8];
	_ =	sdelay $0x3  }
0x33: {  	p0 =	seq.s32 s10, $0x1;
	s10 =	sld [smem:$0x3FBA];
	_ =	sdelay $0x3  }
0x34: {  	[smem:$0x3FBA] =	sst s10  }
0x35: {  	s10 =	sld [smem:$0x3FB9];
	_ =	sdelay $0x3  }
0x36: {  	p1 =	seq.s32 s10, $0x1;
	s10 =	sld [smem:$0x3FBA];
	_ =	sdelay $0x3  }
0x37: {  	[smem:$0x3FBA] =	sst s10  }
0x38: {  	s10 =	sld [smem:$0x3FBB]  }
0x39: {  	_ = 	snop;
	(pc) =	sbr.ind lr, $3  }
0x3a: {  	_ = 	snop  }
0x3b: {  	_ = 	snop  }
0x3c: {  	p2 =	seq.s32 s10, $0x1;
	s10 =	sld [smem:$0x3FBA]  }
0x3d: {  	_ =	shalt  }
0x3e: {  	_ =	shalt  }
0x3f: {  	_ =	shalt  }
0x40: {  	_ =	shalt  }
0x41: {  	_ =	shalt  }
0x42: {  	_ =	shalt  }
0x43: {  	_ =	shalt  }
0x44: {  	_ =	shalt  }
0x45: {  	_ =	shalt  }
0x46: {  	_ =	shalt  }
0x47: {  	_ =	shalt  }
0x48: {  	_ =	shalt  }
0x49: {  	_ =	shalt  }
0x4a: {  	_ =	shalt  }
0x4b: {  	_ =	shalt  }
0x4c: {  	_ =	shalt  }
0x4d: {  	_ =	shalt  }
0x4e: {  	_ =	shalt  }
0x4f: {  	_ =	shalt  }
0x50: {  	_ =	shalt  }
0x51: {  	_ =	shalt  }
0x52: {  	_ =	shalt  }
0x53: {  	_ =	shalt  }
0x54: {  	_ =	shalt  }
0x55: {  	_ =	shalt  }
0x56: {  	_ =	shalt  }
0x57: {  	_ =	shalt  }
0x58: {  	_ =	shalt  }
0x59: {  	_ =	shalt  }
0x5a: {  	_ =	shalt  }
0x5b: {  	_ =	shalt  }
0x5c: {  	_ =	shalt  }
0x5d: {  	_ =	shalt  }
0x5e: {  	_ =	shalt  }
0x5f: {  	_ =	shalt  }
0x60: {  	_ =	shalt  }
0x61: {  	_ =	shalt  }
0x62: {  	_ =	shalt  }
0x63: {  	_ =	shalt  }
0x64: {  	_ =	shalt  }
0x65: {  	_ =	shalt  }
0x66: {  	_ =	shalt  }
0x67: {  	_ =	shalt  }
0x68: {  	_ =	shalt  }
0x69: {  	_ =	shalt  }
0x6a: {  	_ =	shalt  }
0x6b: {  	_ =	shalt  }
0x6c: {  	_ =	shalt  }
0x6d: {  	_ =	shalt  }
0x6e: {  	_ =	shalt  }
0x6f: {  	_ =	shalt  }
0x70: {  	_ =	shalt  }
0x71: {  	_ =	shalt  }
0x72: {  	_ =	shalt  }
0x73: {  	_ =	shalt  }
0x74: {  	_ =	shalt  }
0x75: {  	_ =	shalt  }
0x76: {  	_ =	shalt  }
0x77: {  	_ =	shalt  }
0x78: {  	_ =	shalt  }
0x79: {  	_ =	shalt  }
0x7a: {  	_ =	shalt  }
0x7b: {  	_ =	shalt  }
0x7c: {  	_ =	shalt  }
0x7d: {  	_ =	shalt  }
0x7e: {  	_ =	shalt  }
0x7f: {  	_ =	shalt  }
0x80: {  	_ =	shalt  }
0x81: {  	_ =	shalt  }
0x82: {  	_ =	shalt  }
0x83: {  	_ =	shalt  }
0x84: {  	_ =	shalt  }
0x85: {  	_ =	shalt  }
0x86: {  	_ =	shalt  }
0x87: {  	_ =	shalt  }
.Lfunc_end0:
.L_simem_size_0:
called_computation_lowered:
.L_overlay_start_0:
0x88: {  	s2 =	sld [smem:$0x3FD9]  }
0x89: {  	s3 =	sld [smem:$0x3FFE];
	_ =	sdelay $0x1  }
0x8a: {  	s1 =	srdreg.scid  }
0x8b: {  	s0 =	sand.u32 $0x1, s1  }
0x8c: {  	s16 =	sshll.u32 s0, $0xA;
	s2 =	sadd.s32 s3, s2  }
0x8d: {  	s2 =	sadd.s32 s2, s16  }
0x8e: {  	[smem:$0x3FC6] =	sst s2  }
0x8f: {  	_ = 	snop  }
0x90: {  	(tm) =	ssettm $0x1  }
0x91: {  	s17 =	sld [smem:$0x3FFB];
	_ =	sdelay $0x3  }
0x92: {  	_ =	strace s17  }
0x93: {  	s2 =	sld [smem:$0x3FFC];
	_ =	sdelay $0x3  }
0x94: {  	_ =	strace s2  }
0x95: {  	s2 =	sld [smem:$0x3FFD];
	_ =	sdelay $0x3  }
0x96: {  	_ =	strace s2  }
0x97: {  	_ =	strace $0x8FFFFFFF  }
0x98: {  	s18 =	sld [smem:$0x3FDB];
	_ =	sdelay $0x1  }
0x99: {  	s19 =	simm.s32 $_scs_section_size  }
0x9a: {  	s4 =	simm.s32 $_size__tile_overlayer_lowered;
	s5 =	simm.s32 $_tile_overlayer_lowered  }
0x9b: {  	s22 =	simm.s32 $0x1BFF;
	s21 =	sshll.u32 s5, $0x1;
	s2 =	sadd.s32 s19, s18  }
0x9c: {  	s6 =	simm.s32 $0x0;
	s20 =	sshll.u32 s4, $0x1;
	s4 =	sadd.s32 s21, s2  }
0x9d: {  	[timem:s6], [sflag:s22] =	dma.local [hbm:s4], s20  }
0x9e: {  	_ =	swait.ge [sflag:s22], s20  }
0x9f: {  	s3 =	ssub.s32 $0x0, s20;
	[sflag:s22] =	ssyncset.done $0x0  }
0xa0: {  	[sflag:s22] =	ssyncadd.s32 s3;
	_ =	sdelay $0x1  }
0xa1: {  	s23 =	simm.s32 $0x1B8B  }
0xa2: {  	_ =	swait.ge [sflag:s23], $0x1  }
0xa3: {  	[sflag:s23] =	ssyncset.done $0x0  }
0xa4: {  	s25 =	simm.s32 $0x1B8E;
	s24 =	sld [smem:$0x3FFE];
	[sflag:s23] =	ssyncadd.s32 $0xFFFFFFFF  }
0xa5: {  	s26 =	simm.s32 $execute0_lowered;
	[smem:$0x3FD2] =	sst s25  }
0xa6: {  	s4 =	sshll.u32 s26, $0x1;
	_ =	strace $0x80000046;
	[dreg:$0x1] =	wrdreg $0xFFFFFFFF  }
0xa7: {  	s28 =	simm.s32 $_size_execute0_lowered;
	s2 =	sadd.s32 s2, s4;
	[dreg:$0x0] =	wrdreg $0x0  }
0xa8: {  	s4 =	sshll.u32 s28, $0x1;
	[dreg:$0x2] =	wrdreg s2  }
0xa9: {  	[dreg:$0x3] =	wrdreg s4  }
0xaa: {  	[dreg:$0x4] =	wrdreg $0xC0  }
0xab: {  	_ =	task [dreg:s6], $0x5FFFF  }
0xac: {  	[dreg:$0x1] =	wrdreg $0xFFFFFFFF  }
0xad: {  	[dreg:$0x0] =	wrdreg $0x60  }
0xae: {  	[dreg:$0x2] =	wrdreg s24  }
0xaf: {  	[dreg:$0x3] =	wrdreg $0x9  }
0xb0: {  	_ =	task.clear_ibuf [dreg:s6], $0x4FFFF;
	_ =	strace $0x90000046  }
0xb1: {  	s29 =	simm.s32 $0x9;
	_ =	strace $0x80000048  }
0xb2: {  	_ =	swait.ge [sflag:s29], $0x1  }
0xb3: {  	[sflag:s29] =	ssyncadd.s32 $0xFFFFFFFF  }
0xb4: {  	_ =	strace $0x90000048  }
0xb5: {  	_ =	sfence  }
0xb6: {  	s30 =	sld [smem:$0x0];
	_ =	sdelay $0x2  }
0xb7: {  	s31 =	sshll.u32 s1, $0xD;
	s1 =	sshrl.u32 s1, $0x2  }
0xb8: {  	s3 =	sand.u32 $0x4000, s31;
	s1 =	sadd.s32 s1, s30  }
0xb9: {  	s0 =	sor.u32 s3, s0;
	s1 =	sshll.u32 s1, $0x11  }
0xba: {  	s0 =	sor.u32 s1, s0  }
0xbb: {  	s0 =	sadd.s32 $0x8F2B, s0  }
0xbc: {  	[sflag:s0] =	ssyncadd.remote.s32 $0x1  }
0xbd: {  	_ =	sfence.sel $0xFFFF  }
0xbe: {  	[dreg:$0x0] =	wrdreg $0xFFFFFFFF;
	(pc) =	sbr.abs _section_cstart, $3  }
0xbf: {  	[dreg:$0x1] =	wrdreg $0xFFFFFFFF  }
0xc0: {  	_ =	task.clear_ibuf [dreg:s6], $0x2FFFF;
	_ =	strace $0x9FFFFFFF  }
0xc1: {  	(tm) =	ssettm $0x7FFFFFFF  }
tec
execute0_lowered:
.L_overlay_start_1:
0x0: {  	(tag) =	ssettag $0x1  }
0x1: {  	s4 =	rddreg [dreg:$0x0]  }
0x2: {  	s2 =	srdreg.scid;
	s0 =	rddreg [dreg:$0x1]  }
0x3: {  	s1 =	simm.s32 $0x0;
	s12 =	simm.s32 $0x5100;
	s13 =	simm.s32 $0x2000  }
0x4: {  	s14 =	simm.s32 $0x3000;
	s15 =	simm.s32 $0x4000;
	s16 =	simm.s32 $0x80  }
0x5: {  	s17 =	simm.s32 $0x400;
	s18 =	simm.s32 $0x5200;
	s3 =	sand.u32 $0x1, s2  }
0x6: {  	s19 =	simm.s32 $0x0;
	[smem:$0x7FF] =	sst s1;
	s2 =	sshll.u32 s3, $0x9  }
0x7: {  	_ =	strace $0x80000047;
	s6 =	sshll.u32 s3, $0x4;
	s3 =	ssub.s32 $0x2, s3  }
0x8: {  	s5 =	sadd.s32 s2, s4;
	s2 =	stileid.u32;
	s6 =	sadd.s32 s6, s4  }
0x9: {  	s7 =	sshrl.u32 s3, $0x1;
	s8 =	sshll.u32 s2, $0x5;
	s9 =	smul.u32 $0x12, s2  }
0xa: {  	s10 =	sshll.u32 s2, $0x6;
	s11 =	ssub.s32 s3, s7;
	s3 =	sadd.s32 $0x800, s5  }
0xb: {  	s5 =	sadd.s32 $0x400, s5;
	s8 =	sand.u32 $0x60, s8;
	s31 =	sand.u32 $0x300, s10  }
0xc: {  	s10 =	simm.s32 $0x1000;
	s6 =	sadd.s32 s8, s6;
	s4 =	sadd.s32 s4, s9  }
0xd: {  	s8 =	smax.u32 s11, $0x1;
	s9 =	simm.s32 $0x1;
	s7 =	sadd.s32 s31, s6  }
0xe: {  	s11 =	simm.s32 $0x5000;
	s6 =	sadd.s32 $0x200, s4;
	s7 =	sadd.s32 $0xC00, s7  }
.LBB2_1:
0xf: {  	[tilespmem:s1], [sflag:$0x1] =	stream.linear.gather [hbm4b:s3+s1], $0x1000, $0x38;
	[tilespmem:$0x5300] =	vst v63  }
0x10: {  	_ =	swait.ge [sflag:s9], $0x1000  }
0x11: {  	[sflag:s9] =	ssyncset.done $0x0  }
0x12: {  	[sflag:s9] =	ssyncadd.s32 $0xFFFFF000  }
0x13: {  	[tilespmem:s10], [sflag:$0x1] =	stream.linear.gather [hbm4b:s5+s1], $0x1000, $0x38;
	[tilespmem:$0x5300] =	vst v63  }
0x14: {  	_ =	swait.ge [sflag:s9], $0x1000  }
0x15: {  	[sflag:s9] =	ssyncset.done $0x0  }
0x16: {  	[sflag:s9] =	ssyncadd.s32 $0xFFFFF000  }
0x17: {  	[tilespmem:s11], [sflag:$0x1] =	stream.linear.gather [hbm4b:s6+s1], $0x90, $0x38;
	[tilespmem:$0x5300] =	vst v63  }
0x18: {  	_ =	swait.ge [sflag:s9], $0x90  }
0x19: {  	[sflag:s9] =	ssyncset.done $0x0  }
0x1a: {  	[sflag:s9] =	ssyncadd.s32 $0xFFFFFF70  }
0x1b: {  	[tilespmem:s12], [sflag:$0x1] =	stream.linear.gather [hbm4b:s4+s1], $0x90, $0x38;
	[tilespmem:$0x5300] =	vst v63  }
0x1c: {  	_ =	swait.ge [sflag:s9], $0x90  }
0x1d: {  	[sflag:s9] =	ssyncset.done $0x0  }
0x1e: {  	s20 =	simm.s32 $0x0;
	[sflag:s9] =	ssyncadd.s32 $0xFFFFFF70  }
0x1f: {  	v0 =	vld [tilespmem:s20+$0x1000]  }
0x20: {  	v1 =	vld [tilespmem:s20+$0x0];
	_ =	sdelay $0x3  }
0x21: {  	v2 =	vshrl.u32 v0, $0x10  }
0x22: {  	s21 =	simm.s32 $0x10;
	v3 =	vmul.f32 v0, v0;
	v4 =	vshrl.u32 v1, $0x10;
	v2 =	vand.u32 $0x1, v2  }
0x23: {  	v5 =	vmul.f32 v1, v1;
	v4 =	vand.u32 $0x1, v4;
	v2 =	vadd.s32 v2, v0;
	v0 =	vld [tilespmem:s21+$0x1000]  }
0x24: {  	v4 =	vadd.s32 v4, v1;
	v1 =	vld [tilespmem:s21+$0x0]  }
0x25: {  	v5 =	vadd.f32 v3, v5;
	v2 =	vadd.s32 $0x7FFF, v2  }
0x26: {  	v3 =	vadd.s32 $0x7FFF, v4;
	v2 =	vand.u32 $0xFFFF0000, v2  }
0x27: {  	s22 =	simm.s32 $0x80;
	v3 =	vand.u32 $0xFFFF0000, v3;
	[tilespmem:s20+$0x4000] =	vst v5;
	v2 =	vmul.f32 $-2.000000000e+00, v2  }
.LBB2_2:
0x28: {  	s23 =	sshra.s32 s22, $0x2;
	p0 =	sne.s32 s22, $0x3FC0;
	s22 =	sadd.s32 $0x40, s22;
	v4 =	vshrl.u32 v0, $0x10;
	v5 =	vmul.f32 v0, v0;
	v3 =	vmul.f32 $-2.000000000e+00, v3;
	v6 =	vmovc v0  }
.Ltmp0:
0x29: {  	v0 =	vld [tilespmem:s23+$0x1000];
	v7 =	vshrl.u32 v1, $0x10;
	v4 =	vand.u32 $0x1, v4;
	v8 =	vmul.f32 v1, v1;
	[tilespmem:s20+$0x3000] =	vst v2;
	v2 =	vmovc v1;
	(pc) =	sbr.rel @p0 .LBB2_2-.Ltmp0, $4  }
0x2a: {  	v1 =	vld [tilespmem:s23+$0x0];
	v7 =	vand.u32 $0x1, v7;
	v4 =	vadd.s32 v4, v6;
	[tilespmem:s20+$0x2000] =	vst v3;
	s20 =	smov.u32 s21;
	s21 =	smov.u32 s23  }
0x2b: {  	v2 =	vadd.s32 v7, v2;
	v3 =	vadd.s32 $0x7FFF, v4;
	v4 =	vadd.f32 v5, v8  }
0x2c: {  	v2 =	vadd.s32 $0x7FFF, v2;
	v5 =	vand.u32 $0xFFFF0000, v3  }
0x2d: {  	v3 =	vand.u32 $0xFFFF0000, v2;
	v2 =	vmul.f32 $-2.000000000e+00, v5;
	[tilespmem:s20+$0x4000] =	vst v4  }
0x2e: {  	v4 =	vshrl.u32 v0, $0x10  }
0x2f: {  	v5 =	vmul.f32 v0, v0;
	v6 =	vshrl.u32 v1, $0x10;
	v4 =	vand.u32 $0x1, v4  }
0x30: {  	v7 =	vmul.f32 v1, v1;
	v6 =	vand.u32 $0x1, v6;
	v0 =	vadd.s32 v4, v0  }
0x31: {  	v3 =	vmul.f32 $-2.000000000e+00, v3;
	v1 =	vadd.s32 v6, v1;
	v0 =	vadd.s32 $0x7FFF, v0  }
0x32: {  	[tilespmem:s20+$0x3000] =	vst v2;
	v2 =	vadd.f32 v5, v7;
	v1 =	vadd.s32 $0x7FFF, v1;
	v0 =	vand.u32 $0xFFFF0000, v0  }
0x33: {  	[tilespmem:s20+$0x2000] =	vst v3;
	v1 =	vand.u32 $0xFFFF0000, v1;
	v0 =	vmul.f32 $-2.000000000e+00, v0  }
0x34: {  	[tilespmem:s21+$0x4000] =	vst v2;
	v1 =	vmul.f32 $-2.000000000e+00, v1  }
0x35: {  	[tilespmem:s21+$0x3000] =	vst v0  }
0x36: {  	[tilespmem:s21+$0x2000] =	vst v1  }
0x37: {  	v0 =	vld [tilespmem:$0x5000]  }
0x38: {  	v1 =	vld [tilespmem:$0x5010]  }
0x39: {  	v2 =	vld [tilespmem:$0x5020]  }
0x3a: {  	s30 =	simm.s32 $0x0;
	v8 =	vld [tilespmem:$0x5050]  }
0x3b: {  	v22 =	vmov s30;
	v12 =	vld [tilespmem:$0x5080];
	_ =	sdelay $0x1  }
0x3c: {  	s31 =	simm.s32 $0x1;
	v29 =	vimm.f32 $+Inf  }
0x3d: {  	v28 =	vimm.f32 $+Inf;
	v31 =	vmov s31;
	v5 =	vld [tilespmem:$0x5030];
	v3 =	vshrl.u32 v0, $0x10  }
0x3e: {  	v6 =	vld [tilespmem:$0x5040];
	v4 =	vshrl.u32 v1, $0x10;
	v7 =	vshrl.u32 v2, $0x10;
	v11 =	vshrl.u32 v8, $0x10  }
0x3f: {  	v24 =	vld.idx.msk [tilespmem:v22+s13+$0x0], $0xffff;
	v13 =	vshrl.u32 v12, $0x10;
	v3 =	vand.u32 $0x1, v3;
	v4 =	vand.u32 $0x1, v4  }
0x40: {  	v3 =	vadd.s32 v3, v0;
	v1 =	vadd.s32 v4, v1;
	v4 =	vand.u32 $0x1, v7  }
0x41: {  	v10 =	vld [tilespmem:$0x5070];
	v3 =	vadd.s32 $0x7FFF, v3;
	v1 =	vadd.s32 $0x7FFF, v1;
	v4 =	vadd.s32 v4, v2  }
0x42: {  	v30 =	vld.idx.msk [tilespmem:v22+s15+$0x0], $0xffff;
	v2 =	vand.u32 $0xFFFF0000, v3;
	v3 =	vand.u32 $0xFFFF0000, v1;
	v1 =	vadd.s32 $0x7FFF, v4  }
0x43: {  	v9 =	vld [tilespmem:$0x5060];
	v7 =	vshrl.u32 v6, $0x10;
	v4 =	vand.u32 $0xFFFF0000, v1;
	v1 =	vshrl.u32 v5, $0x10  }
0x44: {  	v21 =	vld.idx.msk [tilespmem:v22+s14+$0x0], $0xffff;
	v7 =	vand.u32 $0x1, v7;
	v22 =	vmul.f32 v2, v24;
	v1 =	vand.u32 $0x1, v1  }
0x45: {  	v25 =	vmul.f32 v3, v24;
	v26 =	vmul.f32 v4, v24;
	v1 =	vadd.s32 v1, v5  }
0x46: {  	v5 =	vadd.s32 v7, v6;
	v6 =	vand.u32 $0x1, v11;
	v11 =	vshrl.u32 v10, $0x10  }
0x47: {  	v32 =	vadd.f32 v30, v22;
	v34 =	vadd.f32 v30, v25;
	v22 =	vimm.f32 $+Inf  }
0x48: {  	v25 =	vimm.f32 $+Inf;
	v1 =	vadd.s32 $0x7FFF, v1;
	v5 =	vadd.s32 $0x7FFF, v5  }
0x49: {  	v7 =	vadd.s32 v6, v8;
	v8 =	vshrl.u32 v9, $0x10;
	v11 =	vand.u32 $0x1, v11  }
0x4a: {  	v15 =	vld [tilespmem:$0x5120];
	v33 =	vadd.f32 v30, v26;
	v26 =	vimm.f32 $+Inf;
	v6 =	vand.u32 $0xFFFF0000, v1  }
0x4b: {  	v14 =	vld [tilespmem:$0x5110];
	v5 =	vand.u32 $0xFFFF0000, v5;
	v7 =	vadd.s32 $0x7FFF, v7;
	v8 =	vand.u32 $0x1, v8  }
0x4c: {  	v7 =	vand.u32 $0xFFFF0000, v7;
	v8 =	vadd.s32 v8, v9;
	v9 =	vadd.s32 v11, v10  }
0x4d: {  	v17 =	vld [tilespmem:$0x5140];
	v10 =	vand.u32 $0x1, v13;
	v36 =	vmul.f32 v6, v24;
	v39 =	vmul.f32 v5, v24  }
0x4e: {  	v1 =	vld [tilespmem:$0x5100];
	v8 =	vadd.s32 $0x7FFF, v8;
	v11 =	vadd.s32 $0x7FFF, v9;
	v10 =	vadd.s32 v10, v12  }
0x4f: {  	v12 =	vshrl.u32 v15, $0x10;
	v37 =	vmul.f32 v7, v24;
	v9 =	vand.u32 $0xFFFF0000, v8  }
0x50: {  	v8 =	vand.u32 $0xFFFF0000, v11;
	v10 =	vadd.s32 $0x7FFF, v10;
	v11 =	vshrl.u32 v14, $0x10  }
0x51: {  	v19 =	vld [tilespmem:$0x5160];
	v12 =	vand.u32 $0x1, v12;
	v13 =	vand.u32 $0xFFFF0000, v10;
	v11 =	vand.u32 $0x1, v11  }
0x52: {  	v12 =	vadd.s32 v12, v15;
	v15 =	vshrl.u32 v17, $0x10;
	v38 =	vmul.f32 v9, v24  }
0x53: {  	v23 =	vld [tilespmem:$0x5180];
	v35 =	vmul.f32 v8, v24;
	v10 =	vshrl.u32 v1, $0x10;
	v11 =	vadd.s32 v11, v14  }
0x54: {  	v16 =	vld [tilespmem:$0x5130];
	v12 =	vadd.s32 $0x7FFF, v12;
	v15 =	vand.u32 $0x1, v15;
	v10 =	vand.u32 $0x1, v10  }
0x55: {  	v14 =	vadd.s32 $0x7FFF, v11;
	v12 =	vand.u32 $0xFFFF0000, v12;
	v15 =	vadd.s32 v15, v17  }
0x56: {  	v17 =	vshrl.u32 v19, $0x10;
	v10 =	vadd.s32 v10, v1;
	v15 =	vadd.s32 $0x7FFF, v15  }
0x57: {  	v18 =	vld [tilespmem:$0x5150];
	v17 =	vand.u32 $0x1, v17;
	v10 =	vadd.s32 $0x7FFF, v10;
	v15 =	vand.u32 $0xFFFF0000, v15  }
0x58: {  	v17 =	vadd.s32 v17, v19;
	v19 =	vshrl.u32 v23, $0x10;
	v11 =	vand.u32 $0xFFFF0000, v10  }
0x59: {  	v20 =	vld [tilespmem:$0x5170];
	v10 =	vand.u32 $0xFFFF0000, v14;
	v14 =	vshrl.u32 v16, $0x10;
	v19 =	vand.u32 $0x1, v19  }
0x5a: {  	v17 =	vadd.s32 $0x7FFF, v17;
	v14 =	vand.u32 $0x1, v14;
	v19 =	vadd.s32 v19, v23  }
0x5b: {  	v23 =	vmul.f32 v13, v24;
	v24 =	vimm.f32 $+Inf;
	v14 =	vadd.s32 v14, v16  }
0x5c: {  	v16 =	vshrl.u32 v18, $0x10;
	v19 =	vadd.s32 $0x7FFF, v19;
	v14 =	vadd.s32 $0x7FFF, v14  }
0x5d: {  	v16 =	vand.u32 $0x1, v16;
	v19 =	vand.u32 $0xFFFF0000, v19;
	v23 =	vadd.f32 v30, v23  }
0x5e: {  	v16 =	vadd.s32 v16, v18;
	v18 =	vshrl.u32 v20, $0x10;
	v27 =	vmul.f32 v19, v21  }
0x5f: {  	v14 =	vand.u32 $0xFFFF0000, v14;
	v16 =	vadd.s32 $0x7FFF, v16;
	v18 =	vand.u32 $0x1, v18  }
0x60: {  	v16 =	vand.u32 $0xFFFF0000, v16;
	v18 =	vadd.s32 v18, v20;
	v40 =	vadd.f32 v23, v27  }
0x61: {  	v23 =	vimm.f32 $+Inf;
	v27 =	vimm.f32 $+Inf;
	v20 =	vadd.s32 $0x7FFF, v18  }
0x62: {  	s20 =	simm.s32 $0x2;
	v18 =	vand.u32 $0xFFFF0000, v17;
	v17 =	vand.u32 $0xFFFF0000, v20;
	v20 =	vimm.f32 $+Inf  }
.LBB2_4:
0x63: {  	p0 =	sne.s32 s20, $0xFFF;
	v36 =	vadd.f32 v30, v36;
	v39 =	vadd.f32 v30, v39;
	v20 =	vmin.f32 v20, v40  }
0x64: {  	v40 =	vmul.f32 v11, v21;
	v37 =	vadd.f32 v30, v37;
	v38 =	vadd.f32 v30, v38  }
0x65: {  	v41 =	vmul.f32 v10, v21;
	v42 =	vmul.f32 v12, v21;
	v35 =	vadd.f32 v30, v35  }
0x66: {  	v30 =	vmul.f32 v14, v21;
	v32 =	vadd.f32 v32, v40;
	v40 =	vmul.f32 v15, v21  }
0x67: {  	v44 =	vmul.f32 v18, v21;
	v34 =	vadd.f32 v34, v41;
	v41 =	vmul.f32 v16, v21;
	v43 =	vld.idx.msk [tilespmem:v31+s13+$0x0], $0xffff  }
0x68: {  	v33 =	vadd.f32 v33, v42;
	v36 =	vadd.f32 v36, v30;
	v42 =	vmul.f32 v17, v21;
	v21 =	vld.idx.msk [tilespmem:v31+s14+$0x0], $0xffff  }
0x69: {  	v29 =	vmin.f32 v29, v32;
	v32 =	vadd.f32 v37, v41;
	v30 =	vld.idx.msk [tilespmem:v31+s15+$0x0], $0xffff;
	v31 =	vadd.f32 v39, v40  }
0x6a: {  	v28 =	vmin.f32 v28, v34;
	v34 =	vadd.f32 v38, v44;
	v35 =	vadd.f32 v35, v42  }
0x6b: {  	v22 =	vmin.f32 v22, v33;
	v23 =	vmin.f32 v23, v36;
	v24 =	vmin.f32 v24, v31  }
0x6c: {  	v26 =	vmin.f32 v26, v32;
	v27 =	vmin.f32 v27, v34;
	v25 =	vmin.f32 v25, v35  }
0x6d: {  	v31 =	vmul.f32 v2, v43;
	v32 =	vmul.f32 v13, v43  }
.Ltmp1:
0x6e: {  	v33 =	vmul.f32 v3, v43;
	v41 =	vmul.f32 v4, v43;
	(pc) =	sbr.rel @p0 .LBB2_4-.Ltmp1, $4  }
0x6f: {  	v36 =	vmul.f32 v6, v43;
	v40 =	vmul.f32 v19, v21;
	v34 =	vadd.f32 v30, v32  }
0x70: {  	v39 =	vmul.f32 v5, v43;
	v37 =	vmul.f32 v7, v43;
	v32 =	vadd.f32 v30, v31  }
0x71: {  	v38 =	vmul.f32 v9, v43;
	v35 =	vmul.f32 v8, v43;
	v40 =	vadd.f32 v34, v40  }
0x72: {  	v31 =	vmov s20;
	s20 =	sadd.s32 $0x1, s20;
	v34 =	vadd.f32 v30, v33;
	v33 =	vadd.f32 v30, v41  }
0x73: {  	_ = 	snop  }
0x74: {  	v36 =	vadd.f32 v30, v36;
	v39 =	vadd.f32 v30, v39;
	v59 =	vmul.f32 v11, v21  }
0x75: {  	v37 =	vadd.f32 v30, v37;
	v41 =	vmul.f32 v10, v21;
	v42 =	vmul.f32 v12, v21  }
0x76: {  	v38 =	vadd.f32 v30, v38;
	v61 =	vmul.f32 v14, v21;
	v62 =	vmul.f32 v15, v21  }
0x77: {  	v60 =	vadd.f32 v30, v35;
	v43 =	vld.idx.msk [tilespmem:v31+s13+$0x0], $0xffff;
	v63 =	vmul.f32 v16, v21;
	v44 =	vmul.f32 v18, v21  }
0x78: {  	v47 =	vmul.f32 v17, v21;
	v32 =	vadd.f32 v32, v59;
	v34 =	vadd.f32 v34, v41  }
0x79: {  	v45 =	vld.idx.msk [tilespmem:v31+s14+$0x0], $0xffff;
	v0 =	vmul.f32 v0, v0;
	v33 =	vadd.f32 v33, v42;
	v35 =	vadd.f32 v36, v61  }
0x7a: {  	v1 =	vmul.f32 v1, v1;
	v49 =	vadd.f32 v39, v62;
	v50 =	vadd.f32 v37, v63  }
0x7b: {  	v20 =	vmin.f32 v20, v40;
	v51 =	vadd.f32 v38, v44;
	v21 =	vadd.f32 v60, v47  }
0x7c: {  	v0 =	vadd.f32 v1, v0;
	v13 =	vmul.f32 v13, v43;
	v2 =	vmul.f32 v2, v43  }
0x7d: {  	v48 =	vld.idx.msk [tilespmem:v31+s15+$0x0], $0xffff;
	v29 =	vmin.f32 v29, v32;
	v3 =	vmul.f32 v3, v43;
	v4 =	vmul.f32 v4, v43  }
0x7e: {  	v52 =	vld [tilespmem:$0x5010];
	v28 =	vmin.f32 v28, v34;
	v19 =	vmul.f32 v19, v45;
	v6 =	vmul.f32 v6, v43  }
0x7f: {  	v53 =	vld [tilespmem:$0x5110];
	v22 =	vmin.f32 v22, v33;
	v5 =	vmul.f32 v5, v43;
	v7 =	vmul.f32 v7, v43  }
0x80: {  	v55 =	vld [tilespmem:$0x5020];
	v23 =	vmin.f32 v23, v35;
	v9 =	vmul.f32 v9, v43;
	v8 =	vmul.f32 v8, v43  }
0x81: {  	v57 =	vld [tilespmem:$0x5120];
	v24 =	vmin.f32 v24, v49;
	v54 =	vmul.f32 v11, v45;
	v56 =	vmul.f32 v10, v45  }
0x82: {  	v59 =	vld [tilespmem:$0x5030];
	v26 =	vmin.f32 v26, v50;
	v58 =	vmul.f32 v12, v45;
	v60 =	vmul.f32 v14, v45  }
0x83: {  	v62 =	vld [tilespmem:$0x5130];
	v27 =	vmin.f32 v27, v51;
	v61 =	vmul.f32 v15, v45;
	v63 =	vmul.f32 v16, v45  }
0x84: {  	v36 =	vld [tilespmem:$0x5050];
	v21 =	vmin.f32 v25, v21;
	v31 =	vmul.f32 v18, v45;
	v34 =	vmul.f32 v17, v45  }
0x85: {  	v37 =	vld [tilespmem:$0x5150];
	v39 =	vmul.f32 v52, v52;
	v13 =	vadd.f32 v48, v13;
	v2 =	vadd.f32 v48, v2  }
0x86: {  	v38 =	vld [tilespmem:$0x5060];
	v40 =	vmul.f32 v53, v53;
	v3 =	vadd.f32 v48, v3;
	v4 =	vadd.f32 v48, v4  }
0x87: {  	v41 =	vld [tilespmem:$0x5160];
	v42 =	vmul.f32 v55, v55;
	v6 =	vadd.f32 v48, v6;
	v5 =	vadd.f32 v48, v5  }
0x88: {  	v47 =	vld [tilespmem:$0x5180];
	v43 =	vmul.f32 v57, v57;
	v7 =	vadd.f32 v48, v7;
	v9 =	vadd.f32 v48, v9  }
0x89: {  	v33 =	vld [tilespmem:$0x5040];
	v8 =	vadd.f32 v48, v8;
	v14 =	vadd.f32 v40, v39;
	v11 =	vmul.f32 v59, v59  }
0x8a: {  	v35 =	vld [tilespmem:$0x5140];
	v10 =	vmul.f32 v62, v62;
	v49 =	vmul.f32 v36, v36;
	v13 =	vadd.f32 v13, v19  }
0x8b: {  	v44 =	vld [tilespmem:$0x5070];
	v50 =	vmul.f32 v37, v37;
	v2 =	vadd.f32 v2, v54;
	v3 =	vadd.f32 v3, v56  }
0x8c: {  	v46 =	vld [tilespmem:$0x5080];
	v1 =	vmul.f32 v38, v38;
	v4 =	vadd.f32 v4, v58;
	v6 =	vadd.f32 v6, v60  }
0x8d: {  	v45 =	vld [tilespmem:$0x5170];
	v52 =	vmul.f32 v41, v41;
	v5 =	vadd.f32 v5, v61;
	v7 =	vadd.f32 v7, v63  }
0x8e: {  	v57 =	vmul.f32 v47, v47;
	v9 =	vadd.f32 v9, v31;
	v8 =	vadd.f32 v8, v34  }
0x8f: {  	v12 =	vmul.f32 v33, v33;
	v17 =	vmul.f32 v35, v35;
	v10 =	vadd.f32 v10, v11  }
0x90: {  	v54 =	vmul.f32 v44, v44;
	v1 =	vadd.f32 v52, v1;
	v2 =	vmin.f32 v29, v2  }
0x91: {  	v56 =	vmul.f32 v46, v46;
	v3 =	vmin.f32 v28, v3;
	v0 =	vadd.f32 v2, v0  }
0x92: {  	v55 =	vmul.f32 v45, v45;
	v6 =	vmin.f32 v23, v6;
	v3 =	vadd.f32 v14, v3  }
0x93: {  	v48 =	vadd.f32 v17, v12;
	v9 =	vmin.f32 v27, v9;
	v6 =	vadd.f32 v10, v6;
	[tilespmem:$0x5200] =	vst v0  }
0x94: {  	v5 =	vmin.f32 v24, v5;
	v60 =	vadd.f32 v57, v56;
	v59 =	vadd.f32 v1, v9;
	[tilespmem:$0x5210] =	vst v3  }
0x95: {  	v61 =	vmin.f32 v20, v13;
	v2 =	vadd.f32 v43, v42;
	v51 =	vadd.f32 v48, v5;
	[tilespmem:$0x5230] =	vst v6  }
0x96: {  	v53 =	vadd.f32 v50, v49;
	v4 =	vmin.f32 v22, v4;
	v63 =	vadd.f32 v60, v61;
	[tilespmem:$0x5260] =	vst v59  }
0x97: {  	v7 =	vmin.f32 v26, v7;
	v5 =	vadd.f32 v55, v54;
	v2 =	vadd.f32 v2, v4;
	[tilespmem:$0x5240] =	vst v51  }
0x98: {  	v58 =	vmin.f32 v21, v8;
	v3 =	vadd.f32 v53, v7;
	[tilespmem:$0x5280] =	vst v63  }
0x99: {  	s19 =	sadd.s32 $0x1, s19;
	v62 =	vadd.f32 v5, v58;
	[tilespmem:$0x5220] =	vst v2  }
0x9a: {  	p0 =	sne.s32 s19, s8;
	[tilespmem:$0x5250] =	vst v3  }
.Ltmp2:
0x9b: {  	[tilespmem:$0x5270] =	vst v62;
	(pc) =	sbr.rel @p0 .LBB2_1-.Ltmp2, $4  }
0x9c: {  	[hbm4b:s7+s16] =	stream.strided.scatter [tilespmem:s18], [sflag:$0x1], $0x100, s17, s16, $0x38;
	[tilespmem:$0x5300] =	vst v63  }
0x9d: {  	_ =	swait.ge [sflag:s9], $0x100  }
0x9e: {  	[sflag:s9] =	ssyncset.done $0x0  }
0x9f: {  	[sflag:s9] =	ssyncadd.s32 $0xFFFFFF00  }
0xa0: {  	_ =	sfence.sel $0x180000  }
0xa1: {  	[bflag:$0x0] =	sbarrier.arrive $0xFFFF  }
0xa2: {  	p0 =	sne.s32 s2, $0x0;
	_ =	strace $0x90000047  }
0xa3: {  	s0 =	sadd.s32 @!p0 $0x100000, s0;
	[bflag:$0x2] =	sbarrier.arrive $0xFFFF  }
0xa4: {  	[sflag:s0] =	ssyncadd.tile.s32 @!p0 $0x1;
	_ =	shalt  }
.Lfunc_end2:
_tile_overlayer_lowered:
.L_overlay_start_2:
0xa5: {  	(tag) =	ssettag $0x2  }
0xa6: {  	s0 =	rddreg [dreg:$0x0];
	s2 =	stileid.u32  }
0xa7: {  	s1 =	rddreg [dreg:$0x1];
	p0 =	sne.s32 s2, $0x0  }
0xa8: {  	s3 =	rddreg [dreg:$0x2];
	[bflag:$0x3] =	sbarrier.arrive $0xFFFF;
	s2 =	simm.s32 @!p0 $0x1C01  }
0xa9: {  	[timem:s3], [sflag:s2] =	dma.local @!p0 [hbm:s0], s1  }
0xaa: {  	s0 =	simm.s32 @!p0 $0x1  }
0xab: {  	_ =	swait.ge @!p0 [sflag:s0], s1  }
0xac: {  	s1 =	ssub.s32 @!p0 $0x0, s1;
	[sflag:s0] =	ssyncset.done @!p0 $0x0  }
0xad: {  	[sflag:s0] =	ssyncadd.s32 @!p0 s1  }
0xae: {  	[bflag:$0x3] =	sbarrier.arrive $0xFFFF  }
0xaf: {  	_ =	shalt  }

</sc_bundles>
